<compile_context>
chip_gen: v7x
topology: tpu7x:2x2x1
jax: 0.10.2.dev20260603
libtpu: 0.0.44.dev20260713+nightly
codegen_flags: <defaults>
</compile_context>

<pallas_src>
import jax
import jax.numpy as jnp
from jax import lax
from jax.experimental import pallas as pl
from jax.experimental.pallas import tpu as pltpu
from jax.experimental.pallas import tpu_sc as plsc

_IN_COLS = 256
_OUT_COLS = 512
_NC = 2
_NS = 16
_NW = _NC * _NS
_CHUNK = 64
_NIB = 2
_NOB = 2
_PREF = 1


def _body(x_hbm, o_hbm, in_buf, out_buf, in_sem0, in_sem1, in_sem2,
          in_sem3, out_sem0, out_sem1):
    rows = o_hbm.shape[0]
    rows_per = rows // _NW
    n_chunks = rows_per // _CHUNK
    wid = lax.axis_index("s") * _NC + lax.axis_index("c")
    row_base = wid * rows_per

    in_sems = (in_sem0, in_sem1, in_sem2, in_sem3)
    out_sems = (out_sem0, out_sem1)

    lane = lax.broadcasted_iota(jnp.int32, (16,), 0)
    in_cols = [lane * 4 + 64 * g for g in range(4)]
    out_cols = [lane * 8 + 128 * g for g in range(4)]
    zeros16 = jnp.zeros((16,), jnp.float32)

    for b in range(_NOB):
        def zrow(r, carry, b=b):
            for g in range(_OUT_COLS // 16):
                out_buf[b, r, pl.ds(g * 16, 16)] = zeros16
            return carry
        lax.fori_loop(0, _CHUNK, zrow, 0)

    def in_copy(k, b):
        row0 = row_base + k * _CHUNK
        return pltpu.make_async_copy(
            x_hbm.at[pl.ds(row0, _CHUNK)], in_buf.at[b], in_sems[b])

    def out_copy(k, b):
        row0 = row_base + k * _CHUNK
        return pltpu.make_async_copy(
            out_buf.at[b], o_hbm.at[pl.ds(row0, _CHUNK)], out_sems[b])

    for j in range(_PREF):
        in_copy(j, j % _NIB).start()

    def step(cur, jin, jout):
        @pl.when(cur + _PREF < n_chunks)
        def _():
            in_copy(cur + _PREF, (jin + _PREF) % _NIB).start()
        in_copy(cur, jin).wait()

        @pl.when(cur >= _NOB)
        def _():
            out_copy(cur - _NOB, jout).wait()

        src = in_buf.at[jin]
        dst = out_buf.at[jout]

        def row_fn(r, carry):
            rs = jnp.full((16,), r, jnp.int32)
            for g in range(4):
                v = plsc.load_gather(src, [rs, in_cols[g]])
                plsc.store_scatter(dst, [rs, out_cols[g]], v)
            return carry
        lax.fori_loop(0, _CHUNK, row_fn, 0)

        out_copy(cur, jout).start()

    def outer(k, carry):
        for j in range(_NIB):
            step(k * _NIB + j, j, j % _NOB)
        return carry
    lax.fori_loop(0, n_chunks // _NIB, outer, 0)

    for b in range(_NOB):
        out_copy(n_chunks - _NOB + b, (n_chunks - _NOB + b) % _NOB).wait()


def kernel(input):
    rows, cols = input.shape
    assert cols == _IN_COLS
    assert rows % (_NW * _NIB * _CHUNK) == 0
    mesh = plsc.VectorSubcoreMesh(
        core_axis_name="c", subcore_axis_name="s", num_cores=_NC,
        num_subcores=_NS)
    f = pl.kernel(
        _body,
        out_type=jax.ShapeDtypeStruct((rows, _OUT_COLS), input.dtype),
        mesh=mesh,
        compiler_params=pltpu.CompilerParams(
            use_tc_tiling_on_sc=False, needs_layout_passes=False),
        scratch_types=[
            pltpu.VMEM((_NIB, _CHUNK, _IN_COLS), jnp.float32),
            pltpu.VMEM((_NOB, _CHUNK, _OUT_COLS), jnp.float32),
            pltpu.SemaphoreType.DMA,
            pltpu.SemaphoreType.DMA,
            pltpu.SemaphoreType.DMA,
            pltpu.SemaphoreType.DMA,
            pltpu.SemaphoreType.DMA,
            pltpu.SemaphoreType.DMA,
        ],
    )
    return f(input)

# --- scband reference (transcript-rebuilt; emitter-appended) ---
"""Pipeline reference for scband-assignments-3624952398713 (READ-ONLY COPY).

The authoritative reference and input builder live on the scoring server;
editing this copy changes nothing except your own understanding.
"""

import jax, jax.numpy as jnp
import numpy as np

INPUT_COLS = 256
OUTPUT_COLS = 512
PADDING = 0.0
ASSIGNMENTS = [(4 * i, 8 * i) for i in range(64)]
FROM_IDX = np.array([a[0] for a in ASSIGNMENTS], dtype=np.int32)
TO_IDX = np.array([a[1] for a in ASSIGNMENTS], dtype=np.int32)


def setup_inputs(seed: int = 0) -> dict:
    key = jax.random.key(seed)
    x = jax.random.normal(key, (262144, INPUT_COLS), dtype=jnp.float32)
    return {"input": x}


def reference(input):
    assert input.shape[-1] == INPUT_COLS
    from_idx = jnp.asarray(FROM_IDX)
    to_idx = jnp.asarray(TO_IDX)
    output = jnp.full(input.shape[:-1] + (OUTPUT_COLS,), PADDING, dtype=input.dtype)
    # assignment targets are distinct, so a vectorized scatter-overwrite is
    # exactly equivalent to the per-(from,to) column copy loop in the torch code
    output = output.at[:, to_idx].set(input[:, from_idx])
    return output

if __name__ == "__main__":
    import jax
    _d = setup_inputs()
    print(jax.jit(kernel)(*tuple(_d.values())))

</pallas_src>

<mosaic_0001>
#map = affine_map<(d0, d1) -> (0, 0)>
module attributes {stable_mosaic.version = 14 : i64} {
  func.func @_body(%arg0: i32, %arg1: i32, %arg2: memref<262144x256xf32, #tpu.memory_space<hbm>>, %arg3: memref<262144x512xf32, #tpu.memory_space<hbm>>, %arg4: memref<2x64x256xf32, #tpu.memory_space<vmem>>, %arg5: memref<2x64x512xf32, #tpu.memory_space<vmem>>, %arg6: memref<!tpu.dma_semaphore, #tpu.memory_space<semaphore_mem>>, %arg7: memref<!tpu.dma_semaphore, #tpu.memory_space<semaphore_mem>>, %arg8: memref<!tpu.dma_semaphore, #tpu.memory_space<semaphore_mem>>, %arg9: memref<!tpu.dma_semaphore, #tpu.memory_space<semaphore_mem>>, %arg10: memref<!tpu.dma_semaphore, #tpu.memory_space<semaphore_mem>>, %arg11: memref<!tpu.dma_semaphore, #tpu.memory_space<semaphore_mem>>) attributes {dimension_semantics = [#tpu.dimension_semantics<core_parallel>, #tpu.dimension_semantics<subcore_parallel>], iteration_bounds = array<i64: 2, 16>, scalar_prefetch = 0 : i64, scratch_operands = 8 : i64, tpu.core_type = #tpu.core_type<sc_vector_subcore>, window_params = [{transform_indices = #map}, {transform_indices = #map}]} {
    %mul3A = arith.constant 2 : i32
    %mul3A_0 = arith.muli %arg1, %mul3A : i32
    %add3A = arith.addi %mul3A_0, %arg0 : i32
    %mul3A_1 = arith.constant 8192 : i32
    %mul3A_2 = arith.muli %add3A, %mul3A_1 : i32
    %iota3A = tpu.iota {dimensions = array<i32: 0>} : vector<16xi32>
    %mul3A_3 = arith.constant 4 : i32
    %mul3A_4 = vector.broadcast %mul3A_3 : i32 to vector<16xi32>
    %mul3A_5 = arith.muli %iota3A, %mul3A_4 : vector<16xi32>
    %add3A_6 = arith.constant 0 : i32
    %add3A_7 = vector.broadcast %add3A_6 : i32 to vector<16xi32>
    %add3A_8 = arith.addi %mul3A_5, %add3A_7 : vector<16xi32>
    %mul3A_9 = arith.constant 4 : i32
    %mul3A_10 = vector.broadcast %mul3A_9 : i32 to vector<16xi32>
    %mul3A_11 = arith.muli %iota3A, %mul3A_10 : vector<16xi32>
    %add3A_12 = arith.constant 64 : i32
    %add3A_13 = vector.broadcast %add3A_12 : i32 to vector<16xi32>
    %add3A_14 = arith.addi %mul3A_11, %add3A_13 : vector<16xi32>
    %mul3A_15 = arith.constant 4 : i32
    %mul3A_16 = vector.broadcast %mul3A_15 : i32 to vector<16xi32>
    %mul3A_17 = arith.muli %iota3A, %mul3A_16 : vector<16xi32>
    %add3A_18 = arith.constant 128 : i32
    %add3A_19 = vector.broadcast %add3A_18 : i32 to vector<16xi32>
    %add3A_20 = arith.addi %mul3A_17, %add3A_19 : vector<16xi32>
    %mul3A_21 = arith.constant 4 : i32
    %mul3A_22 = vector.broadcast %mul3A_21 : i32 to vector<16xi32>
    %mul3A_23 = arith.muli %iota3A, %mul3A_22 : vector<16xi32>
    %add3A_24 = arith.constant 192 : i32
    %add3A_25 = vector.broadcast %add3A_24 : i32 to vector<16xi32>
    %add3A_26 = arith.addi %mul3A_23, %add3A_25 : vector<16xi32>
    %mul3A_27 = arith.constant 8 : i32
    %mul3A_28 = vector.broadcast %mul3A_27 : i32 to vector<16xi32>
    %mul3A_29 = arith.muli %iota3A, %mul3A_28 : vector<16xi32>
    %add3A_30 = arith.constant 0 : i32
    %add3A_31 = vector.broadcast %add3A_30 : i32 to vector<16xi32>
    %add3A_32 = arith.addi %mul3A_29, %add3A_31 : vector<16xi32>
    %mul3A_33 = arith.constant 8 : i32
    %mul3A_34 = vector.broadcast %mul3A_33 : i32 to vector<16xi32>
    %mul3A_35 = arith.muli %iota3A, %mul3A_34 : vector<16xi32>
    %add3A_36 = arith.constant 128 : i32
    %add3A_37 = vector.broadcast %add3A_36 : i32 to vector<16xi32>
    %add3A_38 = arith.addi %mul3A_35, %add3A_37 : vector<16xi32>
    %mul3A_39 = arith.constant 8 : i32
    %mul3A_40 = vector.broadcast %mul3A_39 : i32 to vector<16xi32>
    %mul3A_41 = arith.muli %iota3A, %mul3A_40 : vector<16xi32>
    %add3A_42 = arith.constant 256 : i32
    %add3A_43 = vector.broadcast %add3A_42 : i32 to vector<16xi32>
    %add3A_44 = arith.addi %mul3A_41, %add3A_43 : vector<16xi32>
    %mul3A_45 = arith.constant 8 : i32
    %mul3A_46 = vector.broadcast %mul3A_45 : i32 to vector<16xi32>
    %mul3A_47 = arith.muli %iota3A, %mul3A_46 : vector<16xi32>
    %add3A_48 = arith.constant 384 : i32
    %add3A_49 = vector.broadcast %add3A_48 : i32 to vector<16xi32>
    %add3A_50 = arith.addi %mul3A_47, %add3A_49 : vector<16xi32>
    %broadcast_in_dim3A = arith.constant 0.000000e+00 : f32
    %broadcast_in_dim3A_51 = vector.broadcast %broadcast_in_dim3A : f32 to vector<16xf32>
    %scan3A = arith.constant 0 : i32
    %scan3A_52 = arith.constant 0 : i32
    %scan3A_53 = arith.constant 64 : i32
    %scan3A_54 = arith.addi %scan3A_52, %scan3A_53 : i32
    %scan3A_55 = arith.constant 1 : i32
    scf.for %scan3A_112 = %scan3A_52 to %scan3A_54 step %scan3A_55  : i32 {
      %swap3A = arith.constant 0 : i32
      %swap3A_113 = arith.index_cast %swap3A : i32 to index
      %swap3A_114 = arith.index_cast %scan3A_112 : i32 to index
      %swap3A_115 = arith.constant 0 : index
      %swap3A_116 = tpu.vector_load %arg5[%swap3A_113, %swap3A_114, %swap3A_115] {strides = array<i32>} : memref<2x64x512xf32, #tpu.memory_space<vmem>>, vector<16xf32>,
      tpu.vector_store %arg5[%swap3A_113, %swap3A_114, %swap3A_115], %broadcast_in_dim3A_51 {strides = array<i32>} : memref<2x64x512xf32, #tpu.memory_space<vmem>>, vector<16xf32>,
      %swap3A_117 = arith.constant 0 : i32
      %swap3A_118 = arith.index_cast %swap3A_117 : i32 to index
      %swap3A_119 = arith.index_cast %scan3A_112 : i32 to index
      %swap3A_120 = arith.constant 16 : index
      %swap3A_121 = tpu.vector_load %arg5[%swap3A_118, %swap3A_119, %swap3A_120] {strides = array<i32>} : memref<2x64x512xf32, #tpu.memory_space<vmem>>, vector<16xf32>,
      tpu.vector_store %arg5[%swap3A_118, %swap3A_119, %swap3A_120], %broadcast_in_dim3A_51 {strides = array<i32>} : memref<2x64x512xf32, #tpu.memory_space<vmem>>, vector<16xf32>,
      %swap3A_122 = arith.constant 0 : i32
      %swap3A_123 = arith.index_cast %swap3A_122 : i32 to index
      %swap3A_124 = arith.index_cast %scan3A_112 : i32 to index
      %swap3A_125 = arith.constant 32 : index
      %swap3A_126 = tpu.vector_load %arg5[%swap3A_123, %swap3A_124, %swap3A_125] {strides = array<i32>} : memref<2x64x512xf32, #tpu.memory_space<vmem>>, vector<16xf32>,
      tpu.vector_store %arg5[%swap3A_123, %swap3A_124, %swap3A_125], %broadcast_in_dim3A_51 {strides = array<i32>} : memref<2x64x512xf32, #tpu.memory_space<vmem>>, vector<16xf32>,
      %swap3A_127 = arith.constant 0 : i32
      %swap3A_128 = arith.index_cast %swap3A_127 : i32 to index
      %swap3A_129 = arith.index_cast %scan3A_112 : i32 to index
      %swap3A_130 = arith.constant 48 : index
      %swap3A_131 = tpu.vector_load %arg5[%swap3A_128, %swap3A_129, %swap3A_130] {strides = array<i32>} : memref<2x64x512xf32, #tpu.memory_space<vmem>>, vector<16xf32>,
      tpu.vector_store %arg5[%swap3A_128, %swap3A_129, %swap3A_130], %broadcast_in_dim3A_51 {strides = array<i32>} : memref<2x64x512xf32, #tpu.memory_space<vmem>>, vector<16xf32>,
      %swap3A_132 = arith.constant 0 : i32
      %swap3A_133 = arith.index_cast %swap3A_132 : i32 to index
      %swap3A_134 = arith.index_cast %scan3A_112 : i32 to index
      %swap3A_135 = arith.constant 64 : index
      %swap3A_136 = tpu.vector_load %arg5[%swap3A_133, %swap3A_134, %swap3A_135] {strides = array<i32>} : memref<2x64x512xf32, #tpu.memory_space<vmem>>, vector<16xf32>,
      tpu.vector_store %arg5[%swap3A_133, %swap3A_134, %swap3A_135], %broadcast_in_dim3A_51 {strides = array<i32>} : memref<2x64x512xf32, #tpu.memory_space<vmem>>, vector<16xf32>,
      %swap3A_137 = arith.constant 0 : i32
      %swap3A_138 = arith.index_cast %swap3A_137 : i32 to index
      %swap3A_139 = arith.index_cast %scan3A_112 : i32 to index
      %swap3A_140 = arith.constant 80 : index
      %swap3A_141 = tpu.vector_load %arg5[%swap3A_138, %swap3A_139, %swap3A_140] {strides = array<i32>} : memref<2x64x512xf32, #tpu.memory_space<vmem>>, vector<16xf32>,
      tpu.vector_store %arg5[%swap3A_138, %swap3A_139, %swap3A_140], %broadcast_in_dim3A_51 {strides = array<i32>} : memref<2x64x512xf32, #tpu.memory_space<vmem>>, vector<16xf32>,
      %swap3A_142 = arith.constant 0 : i32
      %swap3A_143 = arith.index_cast %swap3A_142 : i32 to index
      %swap3A_144 = arith.index_cast %scan3A_112 : i32 to index
      %swap3A_145 = arith.constant 96 : index
      %swap3A_146 = tpu.vector_load %arg5[%swap3A_143, %swap3A_144, %swap3A_145] {strides = array<i32>} : memref<2x64x512xf32, #tpu.memory_space<vmem>>, vector<16xf32>,
      tpu.vector_store %arg5[%swap3A_143, %swap3A_144, %swap3A_145], %broadcast_in_dim3A_51 {strides = array<i32>} : memref<2x64x512xf32, #tpu.memory_space<vmem>>, vector<16xf32>,
      %swap3A_147 = arith.constant 0 : i32
      %swap3A_148 = arith.index_cast %swap3A_147 : i32 to index
      %swap3A_149 = arith.index_cast %scan3A_112 : i32 to index
      %swap3A_150 = arith.constant 112 : index
      %swap3A_151 = tpu.vector_load %arg5[%swap3A_148, %swap3A_149, %swap3A_150] {strides = array<i32>} : memref<2x64x512xf32, #tpu.memory_space<vmem>>, vector<16xf32>,
      tpu.vector_store %arg5[%swap3A_148, %swap3A_149, %swap3A_150], %broadcast_in_dim3A_51 {strides = array<i32>} : memref<2x64x512xf32, #tpu.memory_space<vmem>>, vector<16xf32>,
      %swap3A_152 = arith.constant 0 : i32
      %swap3A_153 = arith.index_cast %swap3A_152 : i32 to index
      %swap3A_154 = arith.index_cast %scan3A_112 : i32 to index
      %swap3A_155 = arith.constant 128 : index
      %swap3A_156 = tpu.vector_load %arg5[%swap3A_153, %swap3A_154, %swap3A_155] {strides = array<i32>} : memref<2x64x512xf32, #tpu.memory_space<vmem>>, vector<16xf32>,
      tpu.vector_store %arg5[%swap3A_153, %swap3A_154, %swap3A_155], %broadcast_in_dim3A_51 {strides = array<i32>} : memref<2x64x512xf32, #tpu.memory_space<vmem>>, vector<16xf32>,
      %swap3A_157 = arith.constant 0 : i32
      %swap3A_158 = arith.index_cast %swap3A_157 : i32 to index
      %swap3A_159 = arith.index_cast %scan3A_112 : i32 to index
      %swap3A_160 = arith.constant 144 : index
      %swap3A_161 = tpu.vector_load %arg5[%swap3A_158, %swap3A_159, %swap3A_160] {strides = array<i32>} : memref<2x64x512xf32, #tpu.memory_space<vmem>>, vector<16xf32>,
      tpu.vector_store %arg5[%swap3A_158, %swap3A_159, %swap3A_160], %broadcast_in_dim3A_51 {strides = array<i32>} : memref<2x64x512xf32, #tpu.memory_space<vmem>>, vector<16xf32>,
      %swap3A_162 = arith.constant 0 : i32
      %swap3A_163 = arith.index_cast %swap3A_162 : i32 to index
      %swap3A_164 = arith.index_cast %scan3A_112 : i32 to index
      %swap3A_165 = arith.constant 160 : index
      %swap3A_166 = tpu.vector_load %arg5[%swap3A_163, %swap3A_164, %swap3A_165] {strides = array<i32>} : memref<2x64x512xf32, #tpu.memory_space<vmem>>, vector<16xf32>,
      tpu.vector_store %arg5[%swap3A_163, %swap3A_164, %swap3A_165], %broadcast_in_dim3A_51 {strides = array<i32>} : memref<2x64x512xf32, #tpu.memory_space<vmem>>, vector<16xf32>,
      %swap3A_167 = arith.constant 0 : i32
      %swap3A_168 = arith.index_cast %swap3A_167 : i32 to index
      %swap3A_169 = arith.index_cast %scan3A_112 : i32 to index
      %swap3A_170 = arith.constant 176 : index
      %swap3A_171 = tpu.vector_load %arg5[%swap3A_168, %swap3A_169, %swap3A_170] {strides = array<i32>} : memref<2x64x512xf32, #tpu.memory_space<vmem>>, vector<16xf32>,
      tpu.vector_store %arg5[%swap3A_168, %swap3A_169, %swap3A_170], %broadcast_in_dim3A_51 {strides = array<i32>} : memref<2x64x512xf32, #tpu.memory_space<vmem>>, vector<16xf32>,
      %swap3A_172 = arith.constant 0 : i32
      %swap3A_173 = arith.index_cast %swap3A_172 : i32 to index
      %swap3A_174 = arith.index_cast %scan3A_112 : i32 to index
      %swap3A_175 = arith.constant 192 : index
      %swap3A_176 = tpu.vector_load %arg5[%swap3A_173, %swap3A_174, %swap3A_175] {strides = array<i32>} : memref<2x64x512xf32, #tpu.memory_space<vmem>>, vector<16xf32>,
      tpu.vector_store %arg5[%swap3A_173, %swap3A_174, %swap3A_175], %broadcast_in_dim3A_51 {strides = array<i32>} : memref<2x64x512xf32, #tpu.memory_space<vmem>>, vector<16xf32>,
      %swap3A_177 = arith.constant 0 : i32
      %swap3A_178 = arith.index_cast %swap3A_177 : i32 to index
      %swap3A_179 = arith.index_cast %scan3A_112 : i32 to index
      %swap3A_180 = arith.constant 208 : index
      %swap3A_181 = tpu.vector_load %arg5[%swap3A_178, %swap3A_179, %swap3A_180] {strides = array<i32>} : memref<2x64x512xf32, #tpu.memory_space<vmem>>, vector<16xf32>,
      tpu.vector_store %arg5[%swap3A_178, %swap3A_179, %swap3A_180], %broadcast_in_dim3A_51 {strides = array<i32>} : memref<2x64x512xf32, #tpu.memory_space<vmem>>, vector<16xf32>,
      %swap3A_182 = arith.constant 0 : i32
      %swap3A_183 = arith.index_cast %swap3A_182 : i32 to index
      %swap3A_184 = arith.index_cast %scan3A_112 : i32 to index
      %swap3A_185 = arith.constant 224 : index
      %swap3A_186 = tpu.vector_load %arg5[%swap3A_183, %swap3A_184, %swap3A_185] {strides = array<i32>} : memref<2x64x512xf32, #tpu.memory_space<vmem>>, vector<16xf32>,
      tpu.vector_store %arg5[%swap3A_183, %swap3A_184, %swap3A_185], %broadcast_in_dim3A_51 {strides = array<i32>} : memref<2x64x512xf32, #tpu.memory_space<vmem>>, vector<16xf32>,
      %swap3A_187 = arith.constant 0 : i32
      %swap3A_188 = arith.index_cast %swap3A_187 : i32 to index
      %swap3A_189 = arith.index_cast %scan3A_112 : i32 to index
      %swap3A_190 = arith.constant 240 : index
      %swap3A_191 = tpu.vector_load %arg5[%swap3A_188, %swap3A_189, %swap3A_190] {strides = array<i32>} : memref<2x64x512xf32, #tpu.memory_space<vmem>>, vector<16xf32>,
      tpu.vector_store %arg5[%swap3A_188, %swap3A_189, %swap3A_190], %broadcast_in_dim3A_51 {strides = array<i32>} : memref<2x64x512xf32, #tpu.memory_space<vmem>>, vector<16xf32>,
      %swap3A_192 = arith.constant 0 : i32
      %swap3A_193 = arith.index_cast %swap3A_192 : i32 to index
      %swap3A_194 = arith.index_cast %scan3A_112 : i32 to index
      %swap3A_195 = arith.constant 256 : index
      %swap3A_196 = tpu.vector_load %arg5[%swap3A_193, %swap3A_194, %swap3A_195] {strides = array<i32>} : memref<2x64x512xf32, #tpu.memory_space<vmem>>, vector<16xf32>,
      tpu.vector_store %arg5[%swap3A_193, %swap3A_194, %swap3A_195], %broadcast_in_dim3A_51 {strides = array<i32>} : memref<2x64x512xf32, #tpu.memory_space<vmem>>, vector<16xf32>,
      %swap3A_197 = arith.constant 0 : i32
      %swap3A_198 = arith.index_cast %swap3A_197 : i32 to index
      %swap3A_199 = arith.index_cast %scan3A_112 : i32 to index
      %swap3A_200 = arith.constant 272 : index
      %swap3A_201 = tpu.vector_load %arg5[%swap3A_198, %swap3A_199, %swap3A_200] {strides = array<i32>} : memref<2x64x512xf32, #tpu.memory_space<vmem>>, vector<16xf32>,
      tpu.vector_store %arg5[%swap3A_198, %swap3A_199, %swap3A_200], %broadcast_in_dim3A_51 {strides = array<i32>} : memref<2x64x512xf32, #tpu.memory_space<vmem>>, vector<16xf32>,
      %swap3A_202 = arith.constant 0 : i32
      %swap3A_203 = arith.index_cast %swap3A_202 : i32 to index
      %swap3A_204 = arith.index_cast %scan3A_112 : i32 to index
      %swap3A_205 = arith.constant 288 : index
      %swap3A_206 = tpu.vector_load %arg5[%swap3A_203, %swap3A_204, %swap3A_205] {strides = array<i32>} : memref<2x64x512xf32, #tpu.memory_space<vmem>>, vector<16xf32>,
      tpu.vector_store %arg5[%swap3A_203, %swap3A_204, %swap3A_205], %broadcast_in_dim3A_51 {strides = array<i32>} : memref<2x64x512xf32, #tpu.memory_space<vmem>>, vector<16xf32>,
      %swap3A_207 = arith.constant 0 : i32
      %swap3A_208 = arith.index_cast %swap3A_207 : i32 to index
      %swap3A_209 = arith.index_cast %scan3A_112 : i32 to index
      %swap3A_210 = arith.constant 304 : index
      %swap3A_211 = tpu.vector_load %arg5[%swap3A_208, %swap3A_209, %swap3A_210] {strides = array<i32>} : memref<2x64x512xf32, #tpu.memory_space<vmem>>, vector<16xf32>,
      tpu.vector_store %arg5[%swap3A_208, %swap3A_209, %swap3A_210], %broadcast_in_dim3A_51 {strides = array<i32>} : memref<2x64x512xf32, #tpu.memory_space<vmem>>, vector<16xf32>,
      %swap3A_212 = arith.constant 0 : i32
      %swap3A_213 = arith.index_cast %swap3A_212 : i32 to index
      %swap3A_214 = arith.index_cast %scan3A_112 : i32 to index
      %swap3A_215 = arith.constant 320 : index
      %swap3A_216 = tpu.vector_load %arg5[%swap3A_213, %swap3A_214, %swap3A_215] {strides = array<i32>} : memref<2x64x512xf32, #tpu.memory_space<vmem>>, vector<16xf32>,
      tpu.vector_store %arg5[%swap3A_213, %swap3A_214, %swap3A_215], %broadcast_in_dim3A_51 {strides = array<i32>} : memref<2x64x512xf32, #tpu.memory_space<vmem>>, vector<16xf32>,
      %swap3A_217 = arith.constant 0 : i32
      %swap3A_218 = arith.index_cast %swap3A_217 : i32 to index
      %swap3A_219 = arith.index_cast %scan3A_112 : i32 to index
      %swap3A_220 = arith.constant 336 : index
      %swap3A_221 = tpu.vector_load %arg5[%swap3A_218, %swap3A_219, %swap3A_220] {strides = array<i32>} : memref<2x64x512xf32, #tpu.memory_space<vmem>>, vector<16xf32>,
      tpu.vector_store %arg5[%swap3A_218, %swap3A_219, %swap3A_220], %broadcast_in_dim3A_51 {strides = array<i32>} : memref<2x64x512xf32, #tpu.memory_space<vmem>>, vector<16xf32>,
      %swap3A_222 = arith.constant 0 : i32
      %swap3A_223 = arith.index_cast %swap3A_222 : i32 to index
      %swap3A_224 = arith.index_cast %scan3A_112 : i32 to index
      %swap3A_225 = arith.constant 352 : index
      %swap3A_226 = tpu.vector_load %arg5[%swap3A_223, %swap3A_224, %swap3A_225] {strides = array<i32>} : memref<2x64x512xf32, #tpu.memory_space<vmem>>, vector<16xf32>,
      tpu.vector_store %arg5[%swap3A_223, %swap3A_224, %swap3A_225], %broadcast_in_dim3A_51 {strides = array<i32>} : memref<2x64x512xf32, #tpu.memory_space<vmem>>, vector<16xf32>,
      %swap3A_227 = arith.constant 0 : i32
      %swap3A_228 = arith.index_cast %swap3A_227 : i32 to index
      %swap3A_229 = arith.index_cast %scan3A_112 : i32 to index
      %swap3A_230 = arith.constant 368 : index
      %swap3A_231 = tpu.vector_load %arg5[%swap3A_228, %swap3A_229, %swap3A_230] {strides = array<i32>} : memref<2x64x512xf32, #tpu.memory_space<vmem>>, vector<16xf32>,
      tpu.vector_store %arg5[%swap3A_228, %swap3A_229, %swap3A_230], %broadcast_in_dim3A_51 {strides = array<i32>} : memref<2x64x512xf32, #tpu.memory_space<vmem>>, vector<16xf32>,
      %swap3A_232 = arith.constant 0 : i32
      %swap3A_233 = arith.index_cast %swap3A_232 : i32 to index
      %swap3A_234 = arith.index_cast %scan3A_112 : i32 to index
      %swap3A_235 = arith.constant 384 : index
      %swap3A_236 = tpu.vector_load %arg5[%swap3A_233, %swap3A_234, %swap3A_235] {strides = array<i32>} : memref<2x64x512xf32, #tpu.memory_space<vmem>>, vector<16xf32>,
      tpu.vector_store %arg5[%swap3A_233, %swap3A_234, %swap3A_235], %broadcast_in_dim3A_51 {strides = array<i32>} : memref<2x64x512xf32, #tpu.memory_space<vmem>>, vector<16xf32>,
      %swap3A_237 = arith.constant 0 : i32
      %swap3A_238 = arith.index_cast %swap3A_237 : i32 to index
      %swap3A_239 = arith.index_cast %scan3A_112 : i32 to index
      %swap3A_240 = arith.constant 400 : index
      %swap3A_241 = tpu.vector_load %arg5[%swap3A_238, %swap3A_239, %swap3A_240] {strides = array<i32>} : memref<2x64x512xf32, #tpu.memory_space<vmem>>, vector<16xf32>,
      tpu.vector_store %arg5[%swap3A_238, %swap3A_239, %swap3A_240], %broadcast_in_dim3A_51 {strides = array<i32>} : memref<2x64x512xf32, #tpu.memory_space<vmem>>, vector<16xf32>,
      %swap3A_242 = arith.constant 0 : i32
      %swap3A_243 = arith.index_cast %swap3A_242 : i32 to index
      %swap3A_244 = arith.index_cast %scan3A_112 : i32 to index
      %swap3A_245 = arith.constant 416 : index
      %swap3A_246 = tpu.vector_load %arg5[%swap3A_243, %swap3A_244, %swap3A_245] {strides = array<i32>} : memref<2x64x512xf32, #tpu.memory_space<vmem>>, vector<16xf32>,
      tpu.vector_store %arg5[%swap3A_243, %swap3A_244, %swap3A_245], %broadcast_in_dim3A_51 {strides = array<i32>} : memref<2x64x512xf32, #tpu.memory_space<vmem>>, vector<16xf32>,
      %swap3A_247 = arith.constant 0 : i32
      %swap3A_248 = arith.index_cast %swap3A_247 : i32 to index
      %swap3A_249 = arith.index_cast %scan3A_112 : i32 to index
      %swap3A_250 = arith.constant 432 : index
      %swap3A_251 = tpu.vector_load %arg5[%swap3A_248, %swap3A_249, %swap3A_250] {strides = array<i32>} : memref<2x64x512xf32, #tpu.memory_space<vmem>>, vector<16xf32>,
      tpu.vector_store %arg5[%swap3A_248, %swap3A_249, %swap3A_250], %broadcast_in_dim3A_51 {strides = array<i32>} : memref<2x64x512xf32, #tpu.memory_space<vmem>>, vector<16xf32>,
      %swap3A_252 = arith.constant 0 : i32
      %swap3A_253 = arith.index_cast %swap3A_252 : i32 to index
      %swap3A_254 = arith.index_cast %scan3A_112 : i32 to index
      %swap3A_255 = arith.constant 448 : index
      %swap3A_256 = tpu.vector_load %arg5[%swap3A_253, %swap3A_254, %swap3A_255] {strides = array<i32>} : memref<2x64x512xf32, #tpu.memory_space<vmem>>, vector<16xf32>,
      tpu.vector_store %arg5[%swap3A_253, %swap3A_254, %swap3A_255], %broadcast_in_dim3A_51 {strides = array<i32>} : memref<2x64x512xf32, #tpu.memory_space<vmem>>, vector<16xf32>,
      %swap3A_257 = arith.constant 0 : i32
      %swap3A_258 = arith.index_cast %swap3A_257 : i32 to index
      %swap3A_259 = arith.index_cast %scan3A_112 : i32 to index
      %swap3A_260 = arith.constant 464 : index
      %swap3A_261 = tpu.vector_load %arg5[%swap3A_258, %swap3A_259, %swap3A_260] {strides = array<i32>} : memref<2x64x512xf32, #tpu.memory_space<vmem>>, vector<16xf32>,
      tpu.vector_store %arg5[%swap3A_258, %swap3A_259, %swap3A_260], %broadcast_in_dim3A_51 {strides = array<i32>} : memref<2x64x512xf32, #tpu.memory_space<vmem>>, vector<16xf32>,
      %swap3A_262 = arith.constant 0 : i32
      %swap3A_263 = arith.index_cast %swap3A_262 : i32 to index
      %swap3A_264 = arith.index_cast %scan3A_112 : i32 to index
      %swap3A_265 = arith.constant 480 : index
      %swap3A_266 = tpu.vector_load %arg5[%swap3A_263, %swap3A_264, %swap3A_265] {strides = array<i32>} : memref<2x64x512xf32, #tpu.memory_space<vmem>>, vector<16xf32>,
      tpu.vector_store %arg5[%swap3A_263, %swap3A_264, %swap3A_265], %broadcast_in_dim3A_51 {strides = array<i32>} : memref<2x64x512xf32, #tpu.memory_space<vmem>>, vector<16xf32>,
      %swap3A_267 = arith.constant 0 : i32
      %swap3A_268 = arith.index_cast %swap3A_267 : i32 to index
      %swap3A_269 = arith.index_cast %scan3A_112 : i32 to index
      %swap3A_270 = arith.constant 496 : index
      %swap3A_271 = tpu.vector_load %arg5[%swap3A_268, %swap3A_269, %swap3A_270] {strides = array<i32>} : memref<2x64x512xf32, #tpu.memory_space<vmem>>, vector<16xf32>,
      tpu.vector_store %arg5[%swap3A_268, %swap3A_269, %swap3A_270], %broadcast_in_dim3A_51 {strides = array<i32>} : memref<2x64x512xf32, #tpu.memory_space<vmem>>, vector<16xf32>,
    }
    %scan3A_56 = arith.constant 64 : i32
    %scan3A_57 = arith.constant 0 : i32
    %scan3A_58 = arith.constant 0 : i32
    %scan3A_59 = arith.constant 64 : i32
    %scan3A_60 = arith.addi %scan3A_58, %scan3A_59 : i32
    %scan3A_61 = arith.constant 1 : i32
    scf.for %scan3A_112 = %scan3A_58 to %scan3A_60 step %scan3A_61  : i32 {
      %swap3A = arith.constant 1 : i32
      %swap3A_113 = arith.index_cast %swap3A : i32 to index
      %swap3A_114 = arith.index_cast %scan3A_112 : i32 to index
      %swap3A_115 = arith.constant 0 : index
      %swap3A_116 = tpu.vector_load %arg5[%swap3A_113, %swap3A_114, %swap3A_115] {strides = array<i32>} : memref<2x64x512xf32, #tpu.memory_space<vmem>>, vector<16xf32>,
      tpu.vector_store %arg5[%swap3A_113, %swap3A_114, %swap3A_115], %broadcast_in_dim3A_51 {strides = array<i32>} : memref<2x64x512xf32, #tpu.memory_space<vmem>>, vector<16xf32>,
      %swap3A_117 = arith.constant 1 : i32
      %swap3A_118 = arith.index_cast %swap3A_117 : i32 to index
      %swap3A_119 = arith.index_cast %scan3A_112 : i32 to index
      %swap3A_120 = arith.constant 16 : index
      %swap3A_121 = tpu.vector_load %arg5[%swap3A_118, %swap3A_119, %swap3A_120] {strides = array<i32>} : memref<2x64x512xf32, #tpu.memory_space<vmem>>, vector<16xf32>,
      tpu.vector_store %arg5[%swap3A_118, %swap3A_119, %swap3A_120], %broadcast_in_dim3A_51 {strides = array<i32>} : memref<2x64x512xf32, #tpu.memory_space<vmem>>, vector<16xf32>,
      %swap3A_122 = arith.constant 1 : i32
      %swap3A_123 = arith.index_cast %swap3A_122 : i32 to index
      %swap3A_124 = arith.index_cast %scan3A_112 : i32 to index
      %swap3A_125 = arith.constant 32 : index
      %swap3A_126 = tpu.vector_load %arg5[%swap3A_123, %swap3A_124, %swap3A_125] {strides = array<i32>} : memref<2x64x512xf32, #tpu.memory_space<vmem>>, vector<16xf32>,
      tpu.vector_store %arg5[%swap3A_123, %swap3A_124, %swap3A_125], %broadcast_in_dim3A_51 {strides = array<i32>} : memref<2x64x512xf32, #tpu.memory_space<vmem>>, vector<16xf32>,
      %swap3A_127 = arith.constant 1 : i32
      %swap3A_128 = arith.index_cast %swap3A_127 : i32 to index
      %swap3A_129 = arith.index_cast %scan3A_112 : i32 to index
      %swap3A_130 = arith.constant 48 : index
      %swap3A_131 = tpu.vector_load %arg5[%swap3A_128, %swap3A_129, %swap3A_130] {strides = array<i32>} : memref<2x64x512xf32, #tpu.memory_space<vmem>>, vector<16xf32>,
      tpu.vector_store %arg5[%swap3A_128, %swap3A_129, %swap3A_130], %broadcast_in_dim3A_51 {strides = array<i32>} : memref<2x64x512xf32, #tpu.memory_space<vmem>>, vector<16xf32>,
      %swap3A_132 = arith.constant 1 : i32
      %swap3A_133 = arith.index_cast %swap3A_132 : i32 to index
      %swap3A_134 = arith.index_cast %scan3A_112 : i32 to index
      %swap3A_135 = arith.constant 64 : index
      %swap3A_136 = tpu.vector_load %arg5[%swap3A_133, %swap3A_134, %swap3A_135] {strides = array<i32>} : memref<2x64x512xf32, #tpu.memory_space<vmem>>, vector<16xf32>,
      tpu.vector_store %arg5[%swap3A_133, %swap3A_134, %swap3A_135], %broadcast_in_dim3A_51 {strides = array<i32>} : memref<2x64x512xf32, #tpu.memory_space<vmem>>, vector<16xf32>,
      %swap3A_137 = arith.constant 1 : i32
      %swap3A_138 = arith.index_cast %swap3A_137 : i32 to index
      %swap3A_139 = arith.index_cast %scan3A_112 : i32 to index
      %swap3A_140 = arith.constant 80 : index
      %swap3A_141 = tpu.vector_load %arg5[%swap3A_138, %swap3A_139, %swap3A_140] {strides = array<i32>} : memref<2x64x512xf32, #tpu.memory_space<vmem>>, vector<16xf32>,
      tpu.vector_store %arg5[%swap3A_138, %swap3A_139, %swap3A_140], %broadcast_in_dim3A_51 {strides = array<i32>} : memref<2x64x512xf32, #tpu.memory_space<vmem>>, vector<16xf32>,
      %swap3A_142 = arith.constant 1 : i32
      %swap3A_143 = arith.index_cast %swap3A_142 : i32 to index
      %swap3A_144 = arith.index_cast %scan3A_112 : i32 to index
      %swap3A_145 = arith.constant 96 : index
      %swap3A_146 = tpu.vector_load %arg5[%swap3A_143, %swap3A_144, %swap3A_145] {strides = array<i32>} : memref<2x64x512xf32, #tpu.memory_space<vmem>>, vector<16xf32>,
      tpu.vector_store %arg5[%swap3A_143, %swap3A_144, %swap3A_145], %broadcast_in_dim3A_51 {strides = array<i32>} : memref<2x64x512xf32, #tpu.memory_space<vmem>>, vector<16xf32>,
      %swap3A_147 = arith.constant 1 : i32
      %swap3A_148 = arith.index_cast %swap3A_147 : i32 to index
      %swap3A_149 = arith.index_cast %scan3A_112 : i32 to index
      %swap3A_150 = arith.constant 112 : index
      %swap3A_151 = tpu.vector_load %arg5[%swap3A_148, %swap3A_149, %swap3A_150] {strides = array<i32>} : memref<2x64x512xf32, #tpu.memory_space<vmem>>, vector<16xf32>,
      tpu.vector_store %arg5[%swap3A_148, %swap3A_149, %swap3A_150], %broadcast_in_dim3A_51 {strides = array<i32>} : memref<2x64x512xf32, #tpu.memory_space<vmem>>, vector<16xf32>,
      %swap3A_152 = arith.constant 1 : i32
      %swap3A_153 = arith.index_cast %swap3A_152 : i32 to index
      %swap3A_154 = arith.index_cast %scan3A_112 : i32 to index
      %swap3A_155 = arith.constant 128 : index
      %swap3A_156 = tpu.vector_load %arg5[%swap3A_153, %swap3A_154, %swap3A_155] {strides = array<i32>} : memref<2x64x512xf32, #tpu.memory_space<vmem>>, vector<16xf32>,
      tpu.vector_store %arg5[%swap3A_153, %swap3A_154, %swap3A_155], %broadcast_in_dim3A_51 {strides = array<i32>} : memref<2x64x512xf32, #tpu.memory_space<vmem>>, vector<16xf32>,
      %swap3A_157 = arith.constant 1 : i32
      %swap3A_158 = arith.index_cast %swap3A_157 : i32 to index
      %swap3A_159 = arith.index_cast %scan3A_112 : i32 to index
      %swap3A_160 = arith.constant 144 : index
      %swap3A_161 = tpu.vector_load %arg5[%swap3A_158, %swap3A_159, %swap3A_160] {strides = array<i32>} : memref<2x64x512xf32, #tpu.memory_space<vmem>>, vector<16xf32>,
      tpu.vector_store %arg5[%swap3A_158, %swap3A_159, %swap3A_160], %broadcast_in_dim3A_51 {strides = array<i32>} : memref<2x64x512xf32, #tpu.memory_space<vmem>>, vector<16xf32>,
      %swap3A_162 = arith.constant 1 : i32
      %swap3A_163 = arith.index_cast %swap3A_162 : i32 to index
      %swap3A_164 = arith.index_cast %scan3A_112 : i32 to index
      %swap3A_165 = arith.constant 160 : index
      %swap3A_166 = tpu.vector_load %arg5[%swap3A_163, %swap3A_164, %swap3A_165] {strides = array<i32>} : memref<2x64x512xf32, #tpu.memory_space<vmem>>, vector<16xf32>,
      tpu.vector_store %arg5[%swap3A_163, %swap3A_164, %swap3A_165], %broadcast_in_dim3A_51 {strides = array<i32>} : memref<2x64x512xf32, #tpu.memory_space<vmem>>, vector<16xf32>,
      %swap3A_167 = arith.constant 1 : i32
      %swap3A_168 = arith.index_cast %swap3A_167 : i32 to index
      %swap3A_169 = arith.index_cast %scan3A_112 : i32 to index
      %swap3A_170 = arith.constant 176 : index
      %swap3A_171 = tpu.vector_load %arg5[%swap3A_168, %swap3A_169, %swap3A_170] {strides = array<i32>} : memref<2x64x512xf32, #tpu.memory_space<vmem>>, vector<16xf32>,
      tpu.vector_store %arg5[%swap3A_168, %swap3A_169, %swap3A_170], %broadcast_in_dim3A_51 {strides = array<i32>} : memref<2x64x512xf32, #tpu.memory_space<vmem>>, vector<16xf32>,
      %swap3A_172 = arith.constant 1 : i32
      %swap3A_173 = arith.index_cast %swap3A_172 : i32 to index
      %swap3A_174 = arith.index_cast %scan3A_112 : i32 to index
      %swap3A_175 = arith.constant 192 : index
      %swap3A_176 = tpu.vector_load %arg5[%swap3A_173, %swap3A_174, %swap3A_175] {strides = array<i32>} : memref<2x64x512xf32, #tpu.memory_space<vmem>>, vector<16xf32>,
      tpu.vector_store %arg5[%swap3A_173, %swap3A_174, %swap3A_175], %broadcast_in_dim3A_51 {strides = array<i32>} : memref<2x64x512xf32, #tpu.memory_space<vmem>>, vector<16xf32>,
      %swap3A_177 = arith.constant 1 : i32
      %swap3A_178 = arith.index_cast %swap3A_177 : i32 to index
      %swap3A_179 = arith.index_cast %scan3A_112 : i32 to index
      %swap3A_180 = arith.constant 208 : index
      %swap3A_181 = tpu.vector_load %arg5[%swap3A_178, %swap3A_179, %swap3A_180] {strides = array<i32>} : memref<2x64x512xf32, #tpu.memory_space<vmem>>, vector<16xf32>,
      tpu.vector_store %arg5[%swap3A_178, %swap3A_179, %swap3A_180], %broadcast_in_dim3A_51 {strides = array<i32>} : memref<2x64x512xf32, #tpu.memory_space<vmem>>, vector<16xf32>,
      %swap3A_182 = arith.constant 1 : i32
      %swap3A_183 = arith.index_cast %swap3A_182 : i32 to index
      %swap3A_184 = arith.index_cast %scan3A_112 : i32 to index
      %swap3A_185 = arith.constant 224 : index
      %swap3A_186 = tpu.vector_load %arg5[%swap3A_183, %swap3A_184, %swap3A_185] {strides = array<i32>} : memref<2x64x512xf32, #tpu.memory_space<vmem>>, vector<16xf32>,
      tpu.vector_store %arg5[%swap3A_183, %swap3A_184, %swap3A_185], %broadcast_in_dim3A_51 {strides = array<i32>} : memref<2x64x512xf32, #tpu.memory_space<vmem>>, vector<16xf32>,
      %swap3A_187 = arith.constant 1 : i32
      %swap3A_188 = arith.index_cast %swap3A_187 : i32 to index
      %swap3A_189 = arith.index_cast %scan3A_112 : i32 to index
      %swap3A_190 = arith.constant 240 : index
      %swap3A_191 = tpu.vector_load %arg5[%swap3A_188, %swap3A_189, %swap3A_190] {strides = array<i32>} : memref<2x64x512xf32, #tpu.memory_space<vmem>>, vector<16xf32>,
      tpu.vector_store %arg5[%swap3A_188, %swap3A_189, %swap3A_190], %broadcast_in_dim3A_51 {strides = array<i32>} : memref<2x64x512xf32, #tpu.memory_space<vmem>>, vector<16xf32>,
      %swap3A_192 = arith.constant 1 : i32
      %swap3A_193 = arith.index_cast %swap3A_192 : i32 to index
      %swap3A_194 = arith.index_cast %scan3A_112 : i32 to index
      %swap3A_195 = arith.constant 256 : index
      %swap3A_196 = tpu.vector_load %arg5[%swap3A_193, %swap3A_194, %swap3A_195] {strides = array<i32>} : memref<2x64x512xf32, #tpu.memory_space<vmem>>, vector<16xf32>,
      tpu.vector_store %arg5[%swap3A_193, %swap3A_194, %swap3A_195], %broadcast_in_dim3A_51 {strides = array<i32>} : memref<2x64x512xf32, #tpu.memory_space<vmem>>, vector<16xf32>,
      %swap3A_197 = arith.constant 1 : i32
      %swap3A_198 = arith.index_cast %swap3A_197 : i32 to index
      %swap3A_199 = arith.index_cast %scan3A_112 : i32 to index
      %swap3A_200 = arith.constant 272 : index
      %swap3A_201 = tpu.vector_load %arg5[%swap3A_198, %swap3A_199, %swap3A_200] {strides = array<i32>} : memref<2x64x512xf32, #tpu.memory_space<vmem>>, vector<16xf32>,
      tpu.vector_store %arg5[%swap3A_198, %swap3A_199, %swap3A_200], %broadcast_in_dim3A_51 {strides = array<i32>} : memref<2x64x512xf32, #tpu.memory_space<vmem>>, vector<16xf32>,
      %swap3A_202 = arith.constant 1 : i32
      %swap3A_203 = arith.index_cast %swap3A_202 : i32 to index
      %swap3A_204 = arith.index_cast %scan3A_112 : i32 to index
      %swap3A_205 = arith.constant 288 : index
      %swap3A_206 = tpu.vector_load %arg5[%swap3A_203, %swap3A_204, %swap3A_205] {strides = array<i32>} : memref<2x64x512xf32, #tpu.memory_space<vmem>>, vector<16xf32>,
      tpu.vector_store %arg5[%swap3A_203, %swap3A_204, %swap3A_205], %broadcast_in_dim3A_51 {strides = array<i32>} : memref<2x64x512xf32, #tpu.memory_space<vmem>>, vector<16xf32>,
      %swap3A_207 = arith.constant 1 : i32
      %swap3A_208 = arith.index_cast %swap3A_207 : i32 to index
      %swap3A_209 = arith.index_cast %scan3A_112 : i32 to index
      %swap3A_210 = arith.constant 304 : index
      %swap3A_211 = tpu.vector_load %arg5[%swap3A_208, %swap3A_209, %swap3A_210] {strides = array<i32>} : memref<2x64x512xf32, #tpu.memory_space<vmem>>, vector<16xf32>,
      tpu.vector_store %arg5[%swap3A_208, %swap3A_209, %swap3A_210], %broadcast_in_dim3A_51 {strides = array<i32>} : memref<2x64x512xf32, #tpu.memory_space<vmem>>, vector<16xf32>,
      %swap3A_212 = arith.constant 1 : i32
      %swap3A_213 = arith.index_cast %swap3A_212 : i32 to index
      %swap3A_214 = arith.index_cast %scan3A_112 : i32 to index
      %swap3A_215 = arith.constant 320 : index
      %swap3A_216 = tpu.vector_load %arg5[%swap3A_213, %swap3A_214, %swap3A_215] {strides = array<i32>} : memref<2x64x512xf32, #tpu.memory_space<vmem>>, vector<16xf32>,
      tpu.vector_store %arg5[%swap3A_213, %swap3A_214, %swap3A_215], %broadcast_in_dim3A_51 {strides = array<i32>} : memref<2x64x512xf32, #tpu.memory_space<vmem>>, vector<16xf32>,
      %swap3A_217 = arith.constant 1 : i32
      %swap3A_218 = arith.index_cast %swap3A_217 : i32 to index
      %swap3A_219 = arith.index_cast %scan3A_112 : i32 to index
      %swap3A_220 = arith.constant 336 : index
      %swap3A_221 = tpu.vector_load %arg5[%swap3A_218, %swap3A_219, %swap3A_220] {strides = array<i32>} : memref<2x64x512xf32, #tpu.memory_space<vmem>>, vector<16xf32>,
      tpu.vector_store %arg5[%swap3A_218, %swap3A_219, %swap3A_220], %broadcast_in_dim3A_51 {strides = array<i32>} : memref<2x64x512xf32, #tpu.memory_space<vmem>>, vector<16xf32>,
      %swap3A_222 = arith.constant 1 : i32
      %swap3A_223 = arith.index_cast %swap3A_222 : i32 to index
      %swap3A_224 = arith.index_cast %scan3A_112 : i32 to index
      %swap3A_225 = arith.constant 352 : index
      %swap3A_226 = tpu.vector_load %arg5[%swap3A_223, %swap3A_224, %swap3A_225] {strides = array<i32>} : memref<2x64x512xf32, #tpu.memory_space<vmem>>, vector<16xf32>,
      tpu.vector_store %arg5[%swap3A_223, %swap3A_224, %swap3A_225], %broadcast_in_dim3A_51 {strides = array<i32>} : memref<2x64x512xf32, #tpu.memory_space<vmem>>, vector<16xf32>,
      %swap3A_227 = arith.constant 1 : i32
      %swap3A_228 = arith.index_cast %swap3A_227 : i32 to index
      %swap3A_229 = arith.index_cast %scan3A_112 : i32 to index
      %swap3A_230 = arith.constant 368 : index
      %swap3A_231 = tpu.vector_load %arg5[%swap3A_228, %swap3A_229, %swap3A_230] {strides = array<i32>} : memref<2x64x512xf32, #tpu.memory_space<vmem>>, vector<16xf32>,
      tpu.vector_store %arg5[%swap3A_228, %swap3A_229, %swap3A_230], %broadcast_in_dim3A_51 {strides = array<i32>} : memref<2x64x512xf32, #tpu.memory_space<vmem>>, vector<16xf32>,
      %swap3A_232 = arith.constant 1 : i32
      %swap3A_233 = arith.index_cast %swap3A_232 : i32 to index
      %swap3A_234 = arith.index_cast %scan3A_112 : i32 to index
      %swap3A_235 = arith.constant 384 : index
      %swap3A_236 = tpu.vector_load %arg5[%swap3A_233, %swap3A_234, %swap3A_235] {strides = array<i32>} : memref<2x64x512xf32, #tpu.memory_space<vmem>>, vector<16xf32>,
      tpu.vector_store %arg5[%swap3A_233, %swap3A_234, %swap3A_235], %broadcast_in_dim3A_51 {strides = array<i32>} : memref<2x64x512xf32, #tpu.memory_space<vmem>>, vector<16xf32>,
      %swap3A_237 = arith.constant 1 : i32
      %swap3A_238 = arith.index_cast %swap3A_237 : i32 to index
      %swap3A_239 = arith.index_cast %scan3A_112 : i32 to index
      %swap3A_240 = arith.constant 400 : index
      %swap3A_241 = tpu.vector_load %arg5[%swap3A_238, %swap3A_239, %swap3A_240] {strides = array<i32>} : memref<2x64x512xf32, #tpu.memory_space<vmem>>, vector<16xf32>,
      tpu.vector_store %arg5[%swap3A_238, %swap3A_239, %swap3A_240], %broadcast_in_dim3A_51 {strides = array<i32>} : memref<2x64x512xf32, #tpu.memory_space<vmem>>, vector<16xf32>,
      %swap3A_242 = arith.constant 1 : i32
      %swap3A_243 = arith.index_cast %swap3A_242 : i32 to index
      %swap3A_244 = arith.index_cast %scan3A_112 : i32 to index
      %swap3A_245 = arith.constant 416 : index
      %swap3A_246 = tpu.vector_load %arg5[%swap3A_243, %swap3A_244, %swap3A_245] {strides = array<i32>} : memref<2x64x512xf32, #tpu.memory_space<vmem>>, vector<16xf32>,
      tpu.vector_store %arg5[%swap3A_243, %swap3A_244, %swap3A_245], %broadcast_in_dim3A_51 {strides = array<i32>} : memref<2x64x512xf32, #tpu.memory_space<vmem>>, vector<16xf32>,
      %swap3A_247 = arith.constant 1 : i32
      %swap3A_248 = arith.index_cast %swap3A_247 : i32 to index
      %swap3A_249 = arith.index_cast %scan3A_112 : i32 to index
      %swap3A_250 = arith.constant 432 : index
      %swap3A_251 = tpu.vector_load %arg5[%swap3A_248, %swap3A_249, %swap3A_250] {strides = array<i32>} : memref<2x64x512xf32, #tpu.memory_space<vmem>>, vector<16xf32>,
      tpu.vector_store %arg5[%swap3A_248, %swap3A_249, %swap3A_250], %broadcast_in_dim3A_51 {strides = array<i32>} : memref<2x64x512xf32, #tpu.memory_space<vmem>>, vector<16xf32>,
      %swap3A_252 = arith.constant 1 : i32
      %swap3A_253 = arith.index_cast %swap3A_252 : i32 to index
      %swap3A_254 = arith.index_cast %scan3A_112 : i32 to index
      %swap3A_255 = arith.constant 448 : index
      %swap3A_256 = tpu.vector_load %arg5[%swap3A_253, %swap3A_254, %swap3A_255] {strides = array<i32>} : memref<2x64x512xf32, #tpu.memory_space<vmem>>, vector<16xf32>,
      tpu.vector_store %arg5[%swap3A_253, %swap3A_254, %swap3A_255], %broadcast_in_dim3A_51 {strides = array<i32>} : memref<2x64x512xf32, #tpu.memory_space<vmem>>, vector<16xf32>,
      %swap3A_257 = arith.constant 1 : i32
      %swap3A_258 = arith.index_cast %swap3A_257 : i32 to index
      %swap3A_259 = arith.index_cast %scan3A_112 : i32 to index
      %swap3A_260 = arith.constant 464 : index
      %swap3A_261 = tpu.vector_load %arg5[%swap3A_258, %swap3A_259, %swap3A_260] {strides = array<i32>} : memref<2x64x512xf32, #tpu.memory_space<vmem>>, vector<16xf32>,
      tpu.vector_store %arg5[%swap3A_258, %swap3A_259, %swap3A_260], %broadcast_in_dim3A_51 {strides = array<i32>} : memref<2x64x512xf32, #tpu.memory_space<vmem>>, vector<16xf32>,
      %swap3A_262 = arith.constant 1 : i32
      %swap3A_263 = arith.index_cast %swap3A_262 : i32 to index
      %swap3A_264 = arith.index_cast %scan3A_112 : i32 to index
      %swap3A_265 = arith.constant 480 : index
      %swap3A_266 = tpu.vector_load %arg5[%swap3A_263, %swap3A_264, %swap3A_265] {strides = array<i32>} : memref<2x64x512xf32, #tpu.memory_space<vmem>>, vector<16xf32>,
      tpu.vector_store %arg5[%swap3A_263, %swap3A_264, %swap3A_265], %broadcast_in_dim3A_51 {strides = array<i32>} : memref<2x64x512xf32, #tpu.memory_space<vmem>>, vector<16xf32>,
      %swap3A_267 = arith.constant 1 : i32
      %swap3A_268 = arith.index_cast %swap3A_267 : i32 to index
      %swap3A_269 = arith.index_cast %scan3A_112 : i32 to index
      %swap3A_270 = arith.constant 496 : index
      %swap3A_271 = tpu.vector_load %arg5[%swap3A_268, %swap3A_269, %swap3A_270] {strides = array<i32>} : memref<2x64x512xf32, #tpu.memory_space<vmem>>, vector<16xf32>,
      tpu.vector_store %arg5[%swap3A_268, %swap3A_269, %swap3A_270], %broadcast_in_dim3A_51 {strides = array<i32>} : memref<2x64x512xf32, #tpu.memory_space<vmem>>, vector<16xf32>,
    }
    %scan3A_62 = arith.constant 64 : i32
    %add3A_63 = arith.constant 0 : i32
    %add3A_64 = arith.addi %mul3A_2, %add3A_63 : i32
    %dma_start3A = arith.constant 0 : i32
    %dma_start3A_65 = arith.constant 0 : i32
    %dma_start3A_66 = arith.constant 0 : i32
    %dma_start3A_67 = tpu.memref_slice %arg4[%dma_start3A, %dma_start3A_65, %dma_start3A_66] : memref<2x64x256xf32, #tpu.memory_space<vmem>> -> memref<1x64x256xf32, #tpu.memory_space<vmem>>
    %dma_start3A_68 = tpu.memref_squeeze %dma_start3A_67 : memref<1x64x256xf32, #tpu.memory_space<vmem>> -> memref<64x256xf32, #tpu.memory_space<vmem>>
    %dma_start3A_69 = arith.constant 0 : i32
    %dma_start3A_70 = tpu.memref_slice %arg2[%add3A_64, %dma_start3A_69] : memref<262144x256xf32, #tpu.memory_space<hbm>> -> memref<64x256xf32, #tpu.memory_space<hbm>>
    %dma_start3A_71 = arith.constant 0 : i32
    %dma_start3A_72 = arith.constant 0 : i32
    %dma_start3A_73 = tpu.memref_slice %arg4[%dma_start3A, %dma_start3A_71, %dma_start3A_72] : memref<2x64x256xf32, #tpu.memory_space<vmem>> -> memref<1x64x256xf32, #tpu.memory_space<vmem>>
    %dma_start3A_74 = tpu.memref_squeeze %dma_start3A_73 : memref<1x64x256xf32, #tpu.memory_space<vmem>> -> memref<64x256xf32, #tpu.memory_space<vmem>>
    %dma_start3A_75 = arith.constant 0 : i32
    %dma_start3A_76 = tpu.memref_slice %arg2[%add3A_64, %dma_start3A_75] : memref<262144x256xf32, #tpu.memory_space<hbm>> -> memref<64x256xf32, #tpu.memory_space<hbm>>
    tpu.enqueue_dma source(%dma_start3A_76 : memref<64x256xf32, #tpu.memory_space<hbm>>) target(%dma_start3A_74 : memref<64x256xf32, #tpu.memory_space<vmem>>) target_semaphore(%arg6 : memref<!tpu.dma_semaphore, #tpu.memory_space<semaphore_mem>>)
    %scan3A_77 = arith.constant 0 : i32
    %scan3A_78 = arith.constant 0 : i32
    %scan3A_79 = arith.constant 64 : i32
    %scan3A_80 = arith.addi %scan3A_78, %scan3A_79 : i32
    %scan3A_81 = arith.constant 1 : i32
    scf.for %scan3A_112 = %scan3A_78 to %scan3A_80 step %scan3A_81  : i32 {
      %mul3A_113 = arith.constant 2 : i32
      %mul3A_114 = arith.muli %scan3A_112, %mul3A_113 : i32
      %add3A_115 = arith.constant 0 : i32
      %add3A_116 = arith.addi %mul3A_114, %add3A_115 : i32
      %add3A_117 = arith.constant 1 : i32
      %add3A_118 = arith.addi %add3A_116, %add3A_117 : i32
      %lt3A = arith.constant 128 : i32
      %lt3A_119 = arith.cmpi slt, %add3A_118, %lt3A : i32
      %convert_element_type3A = arith.extui %lt3A_119 : i1 to i32
      %cond3A = arith.constant 0 : i32
      %cond3A_120 = arith.cmpi ne, %convert_element_type3A, %cond3A : i32
      scf.if %cond3A_120 {
        %add3A_221 = arith.constant 1 : i32
        %add3A_222 = arith.addi %add3A_116, %add3A_221 : i32
        %mul3A_223 = arith.constant 64 : i32
        %mul3A_224 = arith.muli %add3A_222, %mul3A_223 : i32
        %add3A_225 = arith.addi %mul3A_2, %mul3A_224 : i32
        %dma_start3A_226 = arith.constant 1 : i32
        %dma_start3A_227 = arith.constant 0 : i32
        %dma_start3A_228 = arith.constant 0 : i32
        %dma_start3A_229 = tpu.memref_slice %arg4[%dma_start3A_226, %dma_start3A_227, %dma_start3A_228] : memref<2x64x256xf32, #tpu.memory_space<vmem>> -> memref<1x64x256xf32, #tpu.memory_space<vmem>>
        %dma_start3A_230 = tpu.memref_squeeze %dma_start3A_229 : memref<1x64x256xf32, #tpu.memory_space<vmem>> -> memref<64x256xf32, #tpu.memory_space<vmem>>
        %dma_start3A_231 = arith.constant 0 : i32
        %dma_start3A_232 = tpu.memref_slice %arg2[%add3A_225, %dma_start3A_231] : memref<262144x256xf32, #tpu.memory_space<hbm>> -> memref<64x256xf32, #tpu.memory_space<hbm>>
        %dma_start3A_233 = arith.constant 0 : i32
        %dma_start3A_234 = arith.constant 0 : i32
        %dma_start3A_235 = tpu.memref_slice %arg4[%dma_start3A_226, %dma_start3A_233, %dma_start3A_234] : memref<2x64x256xf32, #tpu.memory_space<vmem>> -> memref<1x64x256xf32, #tpu.memory_space<vmem>>
        %dma_start3A_236 = tpu.memref_squeeze %dma_start3A_235 : memref<1x64x256xf32, #tpu.memory_space<vmem>> -> memref<64x256xf32, #tpu.memory_space<vmem>>
        %dma_start3A_237 = arith.constant 0 : i32
        %dma_start3A_238 = tpu.memref_slice %arg2[%add3A_225, %dma_start3A_237] : memref<262144x256xf32, #tpu.memory_space<hbm>> -> memref<64x256xf32, #tpu.memory_space<hbm>>
        tpu.enqueue_dma source(%dma_start3A_238 : memref<64x256xf32, #tpu.memory_space<hbm>>) target(%dma_start3A_236 : memref<64x256xf32, #tpu.memory_space<vmem>>) target_semaphore(%arg7 : memref<!tpu.dma_semaphore, #tpu.memory_space<semaphore_mem>>)
      } else {
      }
      %mul3A_121 = arith.constant 64 : i32
      %mul3A_122 = arith.muli %add3A_116, %mul3A_121 : i32
      %add3A_123 = arith.addi %mul3A_2, %mul3A_122 : i32
      %dma_wait3A_124 = arith.constant 0 : i32
      %dma_wait3A_125 = arith.constant 0 : i32
      %dma_wait3A_126 = arith.constant 0 : i32
      %dma_wait3A_127 = tpu.memref_slice %arg4[%dma_wait3A_124, %dma_wait3A_125, %dma_wait3A_126] : memref<2x64x256xf32, #tpu.memory_space<vmem>> -> memref<1x64x256xf32, #tpu.memory_space<vmem>>
      %dma_wait3A_128 = tpu.memref_squeeze %dma_wait3A_127 : memref<1x64x256xf32, #tpu.memory_space<vmem>> -> memref<64x256xf32, #tpu.memory_space<vmem>>
      %dma_wait3A_129 = arith.constant 0 : i32
      %dma_wait3A_130 = tpu.memref_slice %arg2[%add3A_123, %dma_wait3A_129] : memref<262144x256xf32, #tpu.memory_space<hbm>> -> memref<64x256xf32, #tpu.memory_space<hbm>>
      %dma_wait3A_131 = arith.constant 0 : i32
      %dma_wait3A_132 = arith.constant 0 : i32
      %dma_wait3A_133 = tpu.memref_slice %arg4[%dma_wait3A_124, %dma_wait3A_131, %dma_wait3A_132] : memref<2x64x256xf32, #tpu.memory_space<vmem>> -> memref<1x64x256xf32, #tpu.memory_space<vmem>>
      %dma_wait3A_134 = tpu.memref_squeeze %dma_wait3A_133 : memref<1x64x256xf32, #tpu.memory_space<vmem>> -> memref<64x256xf32, #tpu.memory_space<vmem>>
      %dma_wait3A_135 = arith.constant 0 : i32
      %dma_wait3A_136 = tpu.memref_slice %arg2[%add3A_123, %dma_wait3A_135] : memref<262144x256xf32, #tpu.memory_space<hbm>> -> memref<64x256xf32, #tpu.memory_space<hbm>>
      tpu.wait_dma2 semaphore(%arg6 : memref<!tpu.dma_semaphore, #tpu.memory_space<semaphore_mem>>) src(%dma_wait3A_136 : memref<64x256xf32, #tpu.memory_space<hbm>>) dst(%dma_wait3A_134 : memref<64x256xf32, #tpu.memory_space<vmem>>)
      %ge3A = arith.constant 2 : i32
      %ge3A_137 = arith.cmpi sge, %add3A_116, %ge3A : i32
      %convert_element_type3A_138 = arith.extui %ge3A_137 : i1 to i32
      %cond3A_139 = arith.constant 0 : i32
      %cond3A_140 = arith.cmpi ne, %convert_element_type3A_138, %cond3A_139 : i32
      scf.if %cond3A_140 {
        %sub3A = arith.constant 2 : i32
        %sub3A_221 = arith.subi %add3A_116, %sub3A : i32
        %mul3A_222 = arith.constant 64 : i32
        %mul3A_223 = arith.muli %sub3A_221, %mul3A_222 : i32
        %add3A_224 = arith.addi %mul3A_2, %mul3A_223 : i32
        %dma_wait3A_225 = arith.constant 0 : i32
        %dma_wait3A_226 = arith.constant 0 : i32
        %dma_wait3A_227 = arith.constant 0 : i32
        %dma_wait3A_228 = tpu.memref_slice %arg5[%dma_wait3A_225, %dma_wait3A_226, %dma_wait3A_227] : memref<2x64x512xf32, #tpu.memory_space<vmem>> -> memref<1x64x512xf32, #tpu.memory_space<vmem>>
        %dma_wait3A_229 = tpu.memref_squeeze %dma_wait3A_228 : memref<1x64x512xf32, #tpu.memory_space<vmem>> -> memref<64x512xf32, #tpu.memory_space<vmem>>
        %dma_wait3A_230 = arith.constant 0 : i32
        %dma_wait3A_231 = tpu.memref_slice %arg3[%add3A_224, %dma_wait3A_230] : memref<262144x512xf32, #tpu.memory_space<hbm>> -> memref<64x512xf32, #tpu.memory_space<hbm>>
        %dma_wait3A_232 = arith.constant 0 : i32
        %dma_wait3A_233 = tpu.memref_slice %arg3[%add3A_224, %dma_wait3A_232] : memref<262144x512xf32, #tpu.memory_space<hbm>> -> memref<64x512xf32, #tpu.memory_space<hbm>>
        %dma_wait3A_234 = arith.constant 0 : i32
        %dma_wait3A_235 = arith.constant 0 : i32
        %dma_wait3A_236 = tpu.memref_slice %arg5[%dma_wait3A_225, %dma_wait3A_234, %dma_wait3A_235] : memref<2x64x512xf32, #tpu.memory_space<vmem>> -> memref<1x64x512xf32, #tpu.memory_space<vmem>>
        %dma_wait3A_237 = tpu.memref_squeeze %dma_wait3A_236 : memref<1x64x512xf32, #tpu.memory_space<vmem>> -> memref<64x512xf32, #tpu.memory_space<vmem>>
        tpu.wait_dma2 semaphore(%arg10 : memref<!tpu.dma_semaphore, #tpu.memory_space<semaphore_mem>>) src(%dma_wait3A_237 : memref<64x512xf32, #tpu.memory_space<vmem>>) dst(%dma_wait3A_233 : memref<64x512xf32, #tpu.memory_space<hbm>>)
      } else {
      }
      %scan3A_141 = arith.constant 0 : i32
      %scan3A_142 = arith.constant 0 : i32
      %scan3A_143 = arith.constant 0 : i32
      %scan3A_144 = arith.constant 0 : i32
      %scan3A_145 = arith.constant 64 : i32
      %scan3A_146 = arith.addi %scan3A_144, %scan3A_145 : i32
      %scan3A_147 = arith.constant 1 : i32
      scf.for %scan3A_221 = %scan3A_144 to %scan3A_146 step %scan3A_147  : i32 {
        %broadcast_in_dim3A_222 = vector.broadcast %scan3A_221 : i32 to vector<16xi32>
        %gather3A = arith.constant 0 : i32
        %gather3A_223 = arith.constant 0 : i32
        %gather3A_224 = tpu.memref_slice %arg4[%scan3A_142, %gather3A, %gather3A_223] : memref<2x64x256xf32, #tpu.memory_space<vmem>> -> memref<1x64x256xf32, #tpu.memory_space<vmem>>
        %gather3A_225 = tpu.memref_squeeze %gather3A_224 : memref<1x64x256xf32, #tpu.memory_space<vmem>> -> memref<64x256xf32, #tpu.memory_space<vmem>>
        %gather3A_226 = tpu.vector_load_idx %gather3A_225[%broadcast_in_dim3A_222, %add3A_8] : memref<64x256xf32, #tpu.memory_space<vmem>>[vector<16xi32>, vector<16xi32>], vector<16xf32>,
        %scatter3A = arith.constant 0 : i32
        %scatter3A_227 = arith.constant 0 : i32
        %scatter3A_228 = tpu.memref_slice %arg5[%scan3A_143, %scatter3A, %scatter3A_227] : memref<2x64x512xf32, #tpu.memory_space<vmem>> -> memref<1x64x512xf32, #tpu.memory_space<vmem>>
        %scatter3A_229 = tpu.memref_squeeze %scatter3A_228 : memref<1x64x512xf32, #tpu.memory_space<vmem>> -> memref<64x512xf32, #tpu.memory_space<vmem>>
        tpu.vector_store_idx %scatter3A_229[%broadcast_in_dim3A_222, %add3A_32], %gather3A_226 : memref<64x512xf32, #tpu.memory_space<vmem>>[vector<16xi32>, vector<16xi32>], vector<16xf32>,
        %gather3A_230 = arith.constant 0 : i32
        %gather3A_231 = arith.constant 0 : i32
        %gather3A_232 = tpu.memref_slice %arg4[%scan3A_142, %gather3A_230, %gather3A_231] : memref<2x64x256xf32, #tpu.memory_space<vmem>> -> memref<1x64x256xf32, #tpu.memory_space<vmem>>
        %gather3A_233 = tpu.memref_squeeze %gather3A_232 : memref<1x64x256xf32, #tpu.memory_space<vmem>> -> memref<64x256xf32, #tpu.memory_space<vmem>>
        %gather3A_234 = tpu.vector_load_idx %gather3A_233[%broadcast_in_dim3A_222, %add3A_14] : memref<64x256xf32, #tpu.memory_space<vmem>>[vector<16xi32>, vector<16xi32>], vector<16xf32>,
        %scatter3A_235 = arith.constant 0 : i32
        %scatter3A_236 = arith.constant 0 : i32
        %scatter3A_237 = tpu.memref_slice %arg5[%scan3A_143, %scatter3A_235, %scatter3A_236] : memref<2x64x512xf32, #tpu.memory_space<vmem>> -> memref<1x64x512xf32, #tpu.memory_space<vmem>>
        %scatter3A_238 = tpu.memref_squeeze %scatter3A_237 : memref<1x64x512xf32, #tpu.memory_space<vmem>> -> memref<64x512xf32, #tpu.memory_space<vmem>>
        tpu.vector_store_idx %scatter3A_238[%broadcast_in_dim3A_222, %add3A_38], %gather3A_234 : memref<64x512xf32, #tpu.memory_space<vmem>>[vector<16xi32>, vector<16xi32>], vector<16xf32>,
        %gather3A_239 = arith.constant 0 : i32
        %gather3A_240 = arith.constant 0 : i32
        %gather3A_241 = tpu.memref_slice %arg4[%scan3A_142, %gather3A_239, %gather3A_240] : memref<2x64x256xf32, #tpu.memory_space<vmem>> -> memref<1x64x256xf32, #tpu.memory_space<vmem>>
        %gather3A_242 = tpu.memref_squeeze %gather3A_241 : memref<1x64x256xf32, #tpu.memory_space<vmem>> -> memref<64x256xf32, #tpu.memory_space<vmem>>
        %gather3A_243 = tpu.vector_load_idx %gather3A_242[%broadcast_in_dim3A_222, %add3A_20] : memref<64x256xf32, #tpu.memory_space<vmem>>[vector<16xi32>, vector<16xi32>], vector<16xf32>,
        %scatter3A_244 = arith.constant 0 : i32
        %scatter3A_245 = arith.constant 0 : i32
        %scatter3A_246 = tpu.memref_slice %arg5[%scan3A_143, %scatter3A_244, %scatter3A_245] : memref<2x64x512xf32, #tpu.memory_space<vmem>> -> memref<1x64x512xf32, #tpu.memory_space<vmem>>
        %scatter3A_247 = tpu.memref_squeeze %scatter3A_246 : memref<1x64x512xf32, #tpu.memory_space<vmem>> -> memref<64x512xf32, #tpu.memory_space<vmem>>
        tpu.vector_store_idx %scatter3A_247[%broadcast_in_dim3A_222, %add3A_44], %gather3A_243 : memref<64x512xf32, #tpu.memory_space<vmem>>[vector<16xi32>, vector<16xi32>], vector<16xf32>,
        %gather3A_248 = arith.constant 0 : i32
        %gather3A_249 = arith.constant 0 : i32
        %gather3A_250 = tpu.memref_slice %arg4[%scan3A_142, %gather3A_248, %gather3A_249] : memref<2x64x256xf32, #tpu.memory_space<vmem>> -> memref<1x64x256xf32, #tpu.memory_space<vmem>>
        %gather3A_251 = tpu.memref_squeeze %gather3A_250 : memref<1x64x256xf32, #tpu.memory_space<vmem>> -> memref<64x256xf32, #tpu.memory_space<vmem>>
        %gather3A_252 = tpu.vector_load_idx %gather3A_251[%broadcast_in_dim3A_222, %add3A_26] : memref<64x256xf32, #tpu.memory_space<vmem>>[vector<16xi32>, vector<16xi32>], vector<16xf32>,
        %scatter3A_253 = arith.constant 0 : i32
        %scatter3A_254 = arith.constant 0 : i32
        %scatter3A_255 = tpu.memref_slice %arg5[%scan3A_143, %scatter3A_253, %scatter3A_254] : memref<2x64x512xf32, #tpu.memory_space<vmem>> -> memref<1x64x512xf32, #tpu.memory_space<vmem>>
        %scatter3A_256 = tpu.memref_squeeze %scatter3A_255 : memref<1x64x512xf32, #tpu.memory_space<vmem>> -> memref<64x512xf32, #tpu.memory_space<vmem>>
        tpu.vector_store_idx %scatter3A_256[%broadcast_in_dim3A_222, %add3A_50], %gather3A_252 : memref<64x512xf32, #tpu.memory_space<vmem>>[vector<16xi32>, vector<16xi32>], vector<16xf32>,
      }
      %scan3A_148 = arith.constant 64 : i32
      %mul3A_149 = arith.constant 64 : i32
      %mul3A_150 = arith.muli %add3A_116, %mul3A_149 : i32
      %add3A_151 = arith.addi %mul3A_2, %mul3A_150 : i32
      %dma_start3A_152 = arith.constant 0 : i32
      %dma_start3A_153 = arith.constant 0 : i32
      %dma_start3A_154 = arith.constant 0 : i32
      %dma_start3A_155 = tpu.memref_slice %arg5[%dma_start3A_152, %dma_start3A_153, %dma_start3A_154] : memref<2x64x512xf32, #tpu.memory_space<vmem>> -> memref<1x64x512xf32, #tpu.memory_space<vmem>>
      %dma_start3A_156 = tpu.memref_squeeze %dma_start3A_155 : memref<1x64x512xf32, #tpu.memory_space<vmem>> -> memref<64x512xf32, #tpu.memory_space<vmem>>
      %dma_start3A_157 = arith.constant 0 : i32
      %dma_start3A_158 = tpu.memref_slice %arg3[%add3A_151, %dma_start3A_157] : memref<262144x512xf32, #tpu.memory_space<hbm>> -> memref<64x512xf32, #tpu.memory_space<hbm>>
      %dma_start3A_159 = arith.constant 0 : i32
      %dma_start3A_160 = tpu.memref_slice %arg3[%add3A_151, %dma_start3A_159] : memref<262144x512xf32, #tpu.memory_space<hbm>> -> memref<64x512xf32, #tpu.memory_space<hbm>>
      %dma_start3A_161 = arith.constant 0 : i32
      %dma_start3A_162 = arith.constant 0 : i32
      %dma_start3A_163 = tpu.memref_slice %arg5[%dma_start3A_152, %dma_start3A_161, %dma_start3A_162] : memref<2x64x512xf32, #tpu.memory_space<vmem>> -> memref<1x64x512xf32, #tpu.memory_space<vmem>>
      %dma_start3A_164 = tpu.memref_squeeze %dma_start3A_163 : memref<1x64x512xf32, #tpu.memory_space<vmem>> -> memref<64x512xf32, #tpu.memory_space<vmem>>
      tpu.enqueue_dma source(%dma_start3A_164 : memref<64x512xf32, #tpu.memory_space<vmem>>) target(%dma_start3A_160 : memref<64x512xf32, #tpu.memory_space<hbm>>) target_semaphore(%arg10 : memref<!tpu.dma_semaphore, #tpu.memory_space<semaphore_mem>>)
      %mul3A_165 = arith.constant 2 : i32
      %mul3A_166 = arith.muli %scan3A_112, %mul3A_165 : i32
      %add3A_167 = arith.constant 1 : i32
      %add3A_168 = arith.addi %mul3A_166, %add3A_167 : i32
      %add3A_169 = arith.constant 1 : i32
      %add3A_170 = arith.addi %add3A_168, %add3A_169 : i32
      %lt3A_171 = arith.constant 128 : i32
      %lt3A_172 = arith.cmpi slt, %add3A_170, %lt3A_171 : i32
      %convert_element_type3A_173 = arith.extui %lt3A_172 : i1 to i32
      %cond3A_174 = arith.constant 0 : i32
      %cond3A_175 = arith.cmpi ne, %convert_element_type3A_173, %cond3A_174 : i32
      scf.if %cond3A_175 {
        %add3A_221 = arith.constant 1 : i32
        %add3A_222 = arith.addi %add3A_168, %add3A_221 : i32
        %mul3A_223 = arith.constant 64 : i32
        %mul3A_224 = arith.muli %add3A_222, %mul3A_223 : i32
        %add3A_225 = arith.addi %mul3A_2, %mul3A_224 : i32
        %dma_start3A_226 = arith.constant 0 : i32
        %dma_start3A_227 = arith.constant 0 : i32
        %dma_start3A_228 = arith.constant 0 : i32
        %dma_start3A_229 = tpu.memref_slice %arg4[%dma_start3A_226, %dma_start3A_227, %dma_start3A_228] : memref<2x64x256xf32, #tpu.memory_space<vmem>> -> memref<1x64x256xf32, #tpu.memory_space<vmem>>
        %dma_start3A_230 = tpu.memref_squeeze %dma_start3A_229 : memref<1x64x256xf32, #tpu.memory_space<vmem>> -> memref<64x256xf32, #tpu.memory_space<vmem>>
        %dma_start3A_231 = arith.constant 0 : i32
        %dma_start3A_232 = tpu.memref_slice %arg2[%add3A_225, %dma_start3A_231] : memref<262144x256xf32, #tpu.memory_space<hbm>> -> memref<64x256xf32, #tpu.memory_space<hbm>>
        %dma_start3A_233 = arith.constant 0 : i32
        %dma_start3A_234 = arith.constant 0 : i32
        %dma_start3A_235 = tpu.memref_slice %arg4[%dma_start3A_226, %dma_start3A_233, %dma_start3A_234] : memref<2x64x256xf32, #tpu.memory_space<vmem>> -> memref<1x64x256xf32, #tpu.memory_space<vmem>>
        %dma_start3A_236 = tpu.memref_squeeze %dma_start3A_235 : memref<1x64x256xf32, #tpu.memory_space<vmem>> -> memref<64x256xf32, #tpu.memory_space<vmem>>
        %dma_start3A_237 = arith.constant 0 : i32
        %dma_start3A_238 = tpu.memref_slice %arg2[%add3A_225, %dma_start3A_237] : memref<262144x256xf32, #tpu.memory_space<hbm>> -> memref<64x256xf32, #tpu.memory_space<hbm>>
        tpu.enqueue_dma source(%dma_start3A_238 : memref<64x256xf32, #tpu.memory_space<hbm>>) target(%dma_start3A_236 : memref<64x256xf32, #tpu.memory_space<vmem>>) target_semaphore(%arg6 : memref<!tpu.dma_semaphore, #tpu.memory_space<semaphore_mem>>)
      } else {
      }
      %mul3A_176 = arith.constant 64 : i32
      %mul3A_177 = arith.muli %add3A_168, %mul3A_176 : i32
      %add3A_178 = arith.addi %mul3A_2, %mul3A_177 : i32
      %dma_wait3A_179 = arith.constant 1 : i32
      %dma_wait3A_180 = arith.constant 0 : i32
      %dma_wait3A_181 = arith.constant 0 : i32
      %dma_wait3A_182 = tpu.memref_slice %arg4[%dma_wait3A_179, %dma_wait3A_180, %dma_wait3A_181] : memref<2x64x256xf32, #tpu.memory_space<vmem>> -> memref<1x64x256xf32, #tpu.memory_space<vmem>>
      %dma_wait3A_183 = tpu.memref_squeeze %dma_wait3A_182 : memref<1x64x256xf32, #tpu.memory_space<vmem>> -> memref<64x256xf32, #tpu.memory_space<vmem>>
      %dma_wait3A_184 = arith.constant 0 : i32
      %dma_wait3A_185 = tpu.memref_slice %arg2[%add3A_178, %dma_wait3A_184] : memref<262144x256xf32, #tpu.memory_space<hbm>> -> memref<64x256xf32, #tpu.memory_space<hbm>>
      %dma_wait3A_186 = arith.constant 0 : i32
      %dma_wait3A_187 = arith.constant 0 : i32
      %dma_wait3A_188 = tpu.memref_slice %arg4[%dma_wait3A_179, %dma_wait3A_186, %dma_wait3A_187] : memref<2x64x256xf32, #tpu.memory_space<vmem>> -> memref<1x64x256xf32, #tpu.memory_space<vmem>>
      %dma_wait3A_189 = tpu.memref_squeeze %dma_wait3A_188 : memref<1x64x256xf32, #tpu.memory_space<vmem>> -> memref<64x256xf32, #tpu.memory_space<vmem>>
      %dma_wait3A_190 = arith.constant 0 : i32
      %dma_wait3A_191 = tpu.memref_slice %arg2[%add3A_178, %dma_wait3A_190] : memref<262144x256xf32, #tpu.memory_space<hbm>> -> memref<64x256xf32, #tpu.memory_space<hbm>>
      tpu.wait_dma2 semaphore(%arg7 : memref<!tpu.dma_semaphore, #tpu.memory_space<semaphore_mem>>) src(%dma_wait3A_191 : memref<64x256xf32, #tpu.memory_space<hbm>>) dst(%dma_wait3A_189 : memref<64x256xf32, #tpu.memory_space<vmem>>)
      %ge3A_192 = arith.constant 2 : i32
      %ge3A_193 = arith.cmpi sge, %add3A_168, %ge3A_192 : i32
      %convert_element_type3A_194 = arith.extui %ge3A_193 : i1 to i32
      %cond3A_195 = arith.constant 0 : i32
      %cond3A_196 = arith.cmpi ne, %convert_element_type3A_194, %cond3A_195 : i32
      scf.if %cond3A_196 {
        %sub3A = arith.constant 2 : i32
        %sub3A_221 = arith.subi %add3A_168, %sub3A : i32
        %mul3A_222 = arith.constant 64 : i32
        %mul3A_223 = arith.muli %sub3A_221, %mul3A_222 : i32
        %add3A_224 = arith.addi %mul3A_2, %mul3A_223 : i32
        %dma_wait3A_225 = arith.constant 1 : i32
        %dma_wait3A_226 = arith.constant 0 : i32
        %dma_wait3A_227 = arith.constant 0 : i32
        %dma_wait3A_228 = tpu.memref_slice %arg5[%dma_wait3A_225, %dma_wait3A_226, %dma_wait3A_227] : memref<2x64x512xf32, #tpu.memory_space<vmem>> -> memref<1x64x512xf32, #tpu.memory_space<vmem>>
        %dma_wait3A_229 = tpu.memref_squeeze %dma_wait3A_228 : memref<1x64x512xf32, #tpu.memory_space<vmem>> -> memref<64x512xf32, #tpu.memory_space<vmem>>
        %dma_wait3A_230 = arith.constant 0 : i32
        %dma_wait3A_231 = tpu.memref_slice %arg3[%add3A_224, %dma_wait3A_230] : memref<262144x512xf32, #tpu.memory_space<hbm>> -> memref<64x512xf32, #tpu.memory_space<hbm>>
        %dma_wait3A_232 = arith.constant 0 : i32
        %dma_wait3A_233 = tpu.memref_slice %arg3[%add3A_224, %dma_wait3A_232] : memref<262144x512xf32, #tpu.memory_space<hbm>> -> memref<64x512xf32, #tpu.memory_space<hbm>>
        %dma_wait3A_234 = arith.constant 0 : i32
        %dma_wait3A_235 = arith.constant 0 : i32
        %dma_wait3A_236 = tpu.memref_slice %arg5[%dma_wait3A_225, %dma_wait3A_234, %dma_wait3A_235] : memref<2x64x512xf32, #tpu.memory_space<vmem>> -> memref<1x64x512xf32, #tpu.memory_space<vmem>>
        %dma_wait3A_237 = tpu.memref_squeeze %dma_wait3A_236 : memref<1x64x512xf32, #tpu.memory_space<vmem>> -> memref<64x512xf32, #tpu.memory_space<vmem>>
        tpu.wait_dma2 semaphore(%arg11 : memref<!tpu.dma_semaphore, #tpu.memory_space<semaphore_mem>>) src(%dma_wait3A_237 : memref<64x512xf32, #tpu.memory_space<vmem>>) dst(%dma_wait3A_233 : memref<64x512xf32, #tpu.memory_space<hbm>>)
      } else {
      }
      %scan3A_197 = arith.constant 0 : i32
      %scan3A_198 = arith.constant 1 : i32
      %scan3A_199 = arith.constant 1 : i32
      %scan3A_200 = arith.constant 0 : i32
      %scan3A_201 = arith.constant 64 : i32
      %scan3A_202 = arith.addi %scan3A_200, %scan3A_201 : i32
      %scan3A_203 = arith.constant 1 : i32
      scf.for %scan3A_221 = %scan3A_200 to %scan3A_202 step %scan3A_203  : i32 {
        %broadcast_in_dim3A_222 = vector.broadcast %scan3A_221 : i32 to vector<16xi32>
        %gather3A = arith.constant 0 : i32
        %gather3A_223 = arith.constant 0 : i32
        %gather3A_224 = tpu.memref_slice %arg4[%scan3A_198, %gather3A, %gather3A_223] : memref<2x64x256xf32, #tpu.memory_space<vmem>> -> memref<1x64x256xf32, #tpu.memory_space<vmem>>
        %gather3A_225 = tpu.memref_squeeze %gather3A_224 : memref<1x64x256xf32, #tpu.memory_space<vmem>> -> memref<64x256xf32, #tpu.memory_space<vmem>>
        %gather3A_226 = tpu.vector_load_idx %gather3A_225[%broadcast_in_dim3A_222, %add3A_8] : memref<64x256xf32, #tpu.memory_space<vmem>>[vector<16xi32>, vector<16xi32>], vector<16xf32>,
        %scatter3A = arith.constant 0 : i32
        %scatter3A_227 = arith.constant 0 : i32
        %scatter3A_228 = tpu.memref_slice %arg5[%scan3A_199, %scatter3A, %scatter3A_227] : memref<2x64x512xf32, #tpu.memory_space<vmem>> -> memref<1x64x512xf32, #tpu.memory_space<vmem>>
        %scatter3A_229 = tpu.memref_squeeze %scatter3A_228 : memref<1x64x512xf32, #tpu.memory_space<vmem>> -> memref<64x512xf32, #tpu.memory_space<vmem>>
        tpu.vector_store_idx %scatter3A_229[%broadcast_in_dim3A_222, %add3A_32], %gather3A_226 : memref<64x512xf32, #tpu.memory_space<vmem>>[vector<16xi32>, vector<16xi32>], vector<16xf32>,
        %gather3A_230 = arith.constant 0 : i32
        %gather3A_231 = arith.constant 0 : i32
        %gather3A_232 = tpu.memref_slice %arg4[%scan3A_198, %gather3A_230, %gather3A_231] : memref<2x64x256xf32, #tpu.memory_space<vmem>> -> memref<1x64x256xf32, #tpu.memory_space<vmem>>
        %gather3A_233 = tpu.memref_squeeze %gather3A_232 : memref<1x64x256xf32, #tpu.memory_space<vmem>> -> memref<64x256xf32, #tpu.memory_space<vmem>>
        %gather3A_234 = tpu.vector_load_idx %gather3A_233[%broadcast_in_dim3A_222, %add3A_14] : memref<64x256xf32, #tpu.memory_space<vmem>>[vector<16xi32>, vector<16xi32>], vector<16xf32>,
        %scatter3A_235 = arith.constant 0 : i32
        %scatter3A_236 = arith.constant 0 : i32
        %scatter3A_237 = tpu.memref_slice %arg5[%scan3A_199, %scatter3A_235, %scatter3A_236] : memref<2x64x512xf32, #tpu.memory_space<vmem>> -> memref<1x64x512xf32, #tpu.memory_space<vmem>>
        %scatter3A_238 = tpu.memref_squeeze %scatter3A_237 : memref<1x64x512xf32, #tpu.memory_space<vmem>> -> memref<64x512xf32, #tpu.memory_space<vmem>>
        tpu.vector_store_idx %scatter3A_238[%broadcast_in_dim3A_222, %add3A_38], %gather3A_234 : memref<64x512xf32, #tpu.memory_space<vmem>>[vector<16xi32>, vector<16xi32>], vector<16xf32>,
        %gather3A_239 = arith.constant 0 : i32
        %gather3A_240 = arith.constant 0 : i32
        %gather3A_241 = tpu.memref_slice %arg4[%scan3A_198, %gather3A_239, %gather3A_240] : memref<2x64x256xf32, #tpu.memory_space<vmem>> -> memref<1x64x256xf32, #tpu.memory_space<vmem>>
        %gather3A_242 = tpu.memref_squeeze %gather3A_241 : memref<1x64x256xf32, #tpu.memory_space<vmem>> -> memref<64x256xf32, #tpu.memory_space<vmem>>
        %gather3A_243 = tpu.vector_load_idx %gather3A_242[%broadcast_in_dim3A_222, %add3A_20] : memref<64x256xf32, #tpu.memory_space<vmem>>[vector<16xi32>, vector<16xi32>], vector<16xf32>,
        %scatter3A_244 = arith.constant 0 : i32
        %scatter3A_245 = arith.constant 0 : i32
        %scatter3A_246 = tpu.memref_slice %arg5[%scan3A_199, %scatter3A_244, %scatter3A_245] : memref<2x64x512xf32, #tpu.memory_space<vmem>> -> memref<1x64x512xf32, #tpu.memory_space<vmem>>
        %scatter3A_247 = tpu.memref_squeeze %scatter3A_246 : memref<1x64x512xf32, #tpu.memory_space<vmem>> -> memref<64x512xf32, #tpu.memory_space<vmem>>
        tpu.vector_store_idx %scatter3A_247[%broadcast_in_dim3A_222, %add3A_44], %gather3A_243 : memref<64x512xf32, #tpu.memory_space<vmem>>[vector<16xi32>, vector<16xi32>], vector<16xf32>,
        %gather3A_248 = arith.constant 0 : i32
        %gather3A_249 = arith.constant 0 : i32
        %gather3A_250 = tpu.memref_slice %arg4[%scan3A_198, %gather3A_248, %gather3A_249] : memref<2x64x256xf32, #tpu.memory_space<vmem>> -> memref<1x64x256xf32, #tpu.memory_space<vmem>>
        %gather3A_251 = tpu.memref_squeeze %gather3A_250 : memref<1x64x256xf32, #tpu.memory_space<vmem>> -> memref<64x256xf32, #tpu.memory_space<vmem>>
        %gather3A_252 = tpu.vector_load_idx %gather3A_251[%broadcast_in_dim3A_222, %add3A_26] : memref<64x256xf32, #tpu.memory_space<vmem>>[vector<16xi32>, vector<16xi32>], vector<16xf32>,
        %scatter3A_253 = arith.constant 0 : i32
        %scatter3A_254 = arith.constant 0 : i32
        %scatter3A_255 = tpu.memref_slice %arg5[%scan3A_199, %scatter3A_253, %scatter3A_254] : memref<2x64x512xf32, #tpu.memory_space<vmem>> -> memref<1x64x512xf32, #tpu.memory_space<vmem>>
        %scatter3A_256 = tpu.memref_squeeze %scatter3A_255 : memref<1x64x512xf32, #tpu.memory_space<vmem>> -> memref<64x512xf32, #tpu.memory_space<vmem>>
        tpu.vector_store_idx %scatter3A_256[%broadcast_in_dim3A_222, %add3A_50], %gather3A_252 : memref<64x512xf32, #tpu.memory_space<vmem>>[vector<16xi32>, vector<16xi32>], vector<16xf32>,
      }
      %scan3A_204 = arith.constant 64 : i32
      %mul3A_205 = arith.constant 64 : i32
      %mul3A_206 = arith.muli %add3A_168, %mul3A_205 : i32
      %add3A_207 = arith.addi %mul3A_2, %mul3A_206 : i32
      %dma_start3A_208 = arith.constant 1 : i32
      %dma_start3A_209 = arith.constant 0 : i32
      %dma_start3A_210 = arith.constant 0 : i32
      %dma_start3A_211 = tpu.memref_slice %arg5[%dma_start3A_208, %dma_start3A_209, %dma_start3A_210] : memref<2x64x512xf32, #tpu.memory_space<vmem>> -> memref<1x64x512xf32, #tpu.memory_space<vmem>>
      %dma_start3A_212 = tpu.memref_squeeze %dma_start3A_211 : memref<1x64x512xf32, #tpu.memory_space<vmem>> -> memref<64x512xf32, #tpu.memory_space<vmem>>
      %dma_start3A_213 = arith.constant 0 : i32
      %dma_start3A_214 = tpu.memref_slice %arg3[%add3A_207, %dma_start3A_213] : memref<262144x512xf32, #tpu.memory_space<hbm>> -> memref<64x512xf32, #tpu.memory_space<hbm>>
      %dma_start3A_215 = arith.constant 0 : i32
      %dma_start3A_216 = tpu.memref_slice %arg3[%add3A_207, %dma_start3A_215] : memref<262144x512xf32, #tpu.memory_space<hbm>> -> memref<64x512xf32, #tpu.memory_space<hbm>>
      %dma_start3A_217 = arith.constant 0 : i32
      %dma_start3A_218 = arith.constant 0 : i32
      %dma_start3A_219 = tpu.memref_slice %arg5[%dma_start3A_208, %dma_start3A_217, %dma_start3A_218] : memref<2x64x512xf32, #tpu.memory_space<vmem>> -> memref<1x64x512xf32, #tpu.memory_space<vmem>>
      %dma_start3A_220 = tpu.memref_squeeze %dma_start3A_219 : memref<1x64x512xf32, #tpu.memory_space<vmem>> -> memref<64x512xf32, #tpu.memory_space<vmem>>
      tpu.enqueue_dma source(%dma_start3A_220 : memref<64x512xf32, #tpu.memory_space<vmem>>) target(%dma_start3A_216 : memref<64x512xf32, #tpu.memory_space<hbm>>) target_semaphore(%arg11 : memref<!tpu.dma_semaphore, #tpu.memory_space<semaphore_mem>>)
    }
    %scan3A_82 = arith.constant 64 : i32
    %add3A_83 = arith.constant 8064 : i32
    %add3A_84 = arith.addi %mul3A_2, %add3A_83 : i32
    %dma_wait3A = arith.constant 0 : i32
    %dma_wait3A_85 = arith.constant 0 : i32
    %dma_wait3A_86 = arith.constant 0 : i32
    %dma_wait3A_87 = tpu.memref_slice %arg5[%dma_wait3A, %dma_wait3A_85, %dma_wait3A_86] : memref<2x64x512xf32, #tpu.memory_space<vmem>> -> memref<1x64x512xf32, #tpu.memory_space<vmem>>
    %dma_wait3A_88 = tpu.memref_squeeze %dma_wait3A_87 : memref<1x64x512xf32, #tpu.memory_space<vmem>> -> memref<64x512xf32, #tpu.memory_space<vmem>>
    %dma_wait3A_89 = arith.constant 0 : i32
    %dma_wait3A_90 = tpu.memref_slice %arg3[%add3A_84, %dma_wait3A_89] : memref<262144x512xf32, #tpu.memory_space<hbm>> -> memref<64x512xf32, #tpu.memory_space<hbm>>
    %dma_wait3A_91 = arith.constant 0 : i32
    %dma_wait3A_92 = tpu.memref_slice %arg3[%add3A_84, %dma_wait3A_91] : memref<262144x512xf32, #tpu.memory_space<hbm>> -> memref<64x512xf32, #tpu.memory_space<hbm>>
    %dma_wait3A_93 = arith.constant 0 : i32
    %dma_wait3A_94 = arith.constant 0 : i32
    %dma_wait3A_95 = tpu.memref_slice %arg5[%dma_wait3A, %dma_wait3A_93, %dma_wait3A_94] : memref<2x64x512xf32, #tpu.memory_space<vmem>> -> memref<1x64x512xf32, #tpu.memory_space<vmem>>
    %dma_wait3A_96 = tpu.memref_squeeze %dma_wait3A_95 : memref<1x64x512xf32, #tpu.memory_space<vmem>> -> memref<64x512xf32, #tpu.memory_space<vmem>>
    tpu.wait_dma2 semaphore(%arg10 : memref<!tpu.dma_semaphore, #tpu.memory_space<semaphore_mem>>) src(%dma_wait3A_96 : memref<64x512xf32, #tpu.memory_space<vmem>>) dst(%dma_wait3A_92 : memref<64x512xf32, #tpu.memory_space<hbm>>)
    %add3A_97 = arith.constant 8128 : i32
    %add3A_98 = arith.addi %mul3A_2, %add3A_97 : i32
    %dma_wait3A_99 = arith.constant 1 : i32
    %dma_wait3A_100 = arith.constant 0 : i32
    %dma_wait3A_101 = arith.constant 0 : i32
    %dma_wait3A_102 = tpu.memref_slice %arg5[%dma_wait3A_99, %dma_wait3A_100, %dma_wait3A_101] : memref<2x64x512xf32, #tpu.memory_space<vmem>> -> memref<1x64x512xf32, #tpu.memory_space<vmem>>
    %dma_wait3A_103 = tpu.memref_squeeze %dma_wait3A_102 : memref<1x64x512xf32, #tpu.memory_space<vmem>> -> memref<64x512xf32, #tpu.memory_space<vmem>>
    %dma_wait3A_104 = arith.constant 0 : i32
    %dma_wait3A_105 = tpu.memref_slice %arg3[%add3A_98, %dma_wait3A_104] : memref<262144x512xf32, #tpu.memory_space<hbm>> -> memref<64x512xf32, #tpu.memory_space<hbm>>
    %dma_wait3A_106 = arith.constant 0 : i32
    %dma_wait3A_107 = tpu.memref_slice %arg3[%add3A_98, %dma_wait3A_106] : memref<262144x512xf32, #tpu.memory_space<hbm>> -> memref<64x512xf32, #tpu.memory_space<hbm>>
    %dma_wait3A_108 = arith.constant 0 : i32
    %dma_wait3A_109 = arith.constant 0 : i32
    %dma_wait3A_110 = tpu.memref_slice %arg5[%dma_wait3A_99, %dma_wait3A_108, %dma_wait3A_109] : memref<2x64x512xf32, #tpu.memory_space<vmem>> -> memref<1x64x512xf32, #tpu.memory_space<vmem>>
    %dma_wait3A_111 = tpu.memref_squeeze %dma_wait3A_110 : memref<1x64x512xf32, #tpu.memory_space<vmem>> -> memref<64x512xf32, #tpu.memory_space<vmem>>
    tpu.wait_dma2 semaphore(%arg11 : memref<!tpu.dma_semaphore, #tpu.memory_space<semaphore_mem>>) src(%dma_wait3A_111 : memref<64x512xf32, #tpu.memory_space<vmem>>) dst(%dma_wait3A_107 : memref<64x512xf32, #tpu.memory_space<hbm>>)
    return
  }
}

</mosaic_0001>

<sc_bundles>
// kernel: kernel.3.cloned.1.call-start
scs
__scs_entry_jumppad:
0x0: {  	(pc) =	sbr.rel $0x88, $3  }
0x1: {  	(tag) =	ssettag $0x0;
	lr =	simm.s32 $0x1  }
0x2: {  	[smem:$0x3FA0] =	sst lr;
	_ =	strace $0xD0000000  }
0x3: {  	_ = 	snop  }
0x4: {  	_ = 	snop  }
0x5: {  	_ = 	snop  }
0x6: {  	_ = 	snop  }
0x7: {  	_ = 	snop  }
__scs_overlays_trampoline_lowered:
0x8: {  	[smem:$0x3FAF] =	sst s0  }
0x9: {  	[smem:$0x3FB0] =	sst s1  }
0xa: {  	[smem:$0x3FB1] =	sst s2  }
0xb: {  	[smem:$0x3FB2] =	sst s3  }
0xc: {  	[smem:$0x3FB3] =	sst s4  }
0xd: {  	[smem:$0x3FB4] =	sst s5  }
0xe: {  	[smem:$0x3FB5] =	sst s6  }
0xf: {  	[smem:$0x3FB6] =	sst s7  }
0x10: {  	[smem:$0x3FB7] =	sst s8  }
0x11: {  	[smem:$0x3FB8] =	sst s9;
	s0 =	simm.s32 @!p0 $0x0  }
0x12: {  	s1 =	sld [smem:$0x3F9E];
	s0 =	simm.s32 @p0 $0x1  }
0x13: {  	[smem:$0x3FB9] =	sst s0;
	s0 =	simm.s32 @!p1 $0x0  }
0x14: {  	s2 =	sld [smem:$0x3F9D];
	s0 =	simm.s32 @p1 $0x1  }
0x15: {  	[smem:$0x3FBA] =	sst s0;
	s0 =	simm.s32 @!p2 $0x0  }
0x16: {  	s3 =	sld [smem:$0x3FDB];
	s0 =	simm.s32 @p2 $0x1  }
0x17: {  	s4 =	simm.s32 $0x1BF5;
	[smem:$0x3FBC] =	sst s0  }
0x18: {  	s0 =	sld [smem:$0x3F9F];
	_ =	swait.ge [sflag:s4], $0x0  }
0x19: {  	s7 =	sld [smem:$0x3FA0]  }
0x1a: {  	s8 =	sadd.s32 $0xFFFFE003, lr  }
0x1b: {  	s9 =	sadd.s32 $0xFFFFFEF7, lr;
	s5 =	simm.s32 $0xFFFFFFFF;
	p2 =	slt.u32 s8, $0xFFFFF086  }
0x1c: {  	p1 =	slt.u32 s9, $0xF7A;
	s5 =	simm.s32 @!p2 $0x0  }
0x1d: {  	s5 =	simm.s32 @p1 $0x1;
	p0 =	seq.s32 s7, s2  }
0x1e: {  	s7 =	smul.u32 @!p0 $0xF7A, s2;
	p2 =	seq.s32 @!p0 s5, $0x0  }
0x1f: {  	s9 =	smul.u32 $0xF7A, s1;
	s8 =	simm.s32 @!p0 $0x1BF5;
	p2 =	por !p2, p0  }
0x20: {  	[sflag:s8] =	ssyncset.s32 @!p0 $0xFFFFF086;
	s6 =	sadd.s32 @!p0 s3, s7;
	s7 =	simm.s32 @!p0 $0x108  }
0x21: {  	s3 =	sadd.s32 s3, s9;
	s6 =	sadd.s32 @!p0 $0x88, s6;
	s7 =	simm.s32 @p2 $0x1082  }
0x22: {  	[simem:s7], [sflag:s8] =	dma.local @!p0 [hbm:s6], $0xF7A  }
0x23: {  	s9 =	sor.u32 $0xD0000000, s2;
	s6 =	simm.s32 $0x108;
	_ =	swait.ge @!p0 [sflag:s8], $0x0  }
0x24: {  	s3 =	sadd.s32 $0x88, s3;
	s6 =	simm.s32 @!p1 $0x1082;
	[sflag:s4] =	ssyncset.s32 $0xFFFFF086  }
0x25: {  	[simem:s6], [sflag:s4] =	dma.local [hbm:s3], $0xF7A  }
0x26: {  	[smem:$0x3FA0] =	sst s1;
	(tag) =	ssettag s2;
	_ =	strace s9  }
0x27: {  	s1 =	sld [smem:$0x3FB0]  }
0x28: {  	s2 =	sld [smem:$0x3FB1]  }
0x29: {  	s4 =	sld [smem:$0x3FB3]  }
0x2a: {  	p0 =	seq.s32 s5, $0x0;
	s5 =	sld [smem:$0x3FB4]  }
0x2b: {  	s6 =	sld [smem:$0x3FB5]  }
0x2c: {  	s7 =	sld [smem:$0x3FB6]  }
0x2d: {  	s3 =	simm.s32 $0x108;
	s8 =	sld [smem:$0x3FB7]  }
0x2e: {  	s3 =	simm.s32 @!p0 $0x1082;
	s9 =	sld [smem:$0x3FB8]  }
0x2f: {  	lr =	sadd.s32 s0, s3;
	s0 =	sld [smem:$0x3FAF]  }
0x30: {  	s3 =	sld [smem:$0x3FB2]  }
0x31: {  	[smem:$0x3FBB] =	sst s10  }
0x32: {  	s10 =	sld [smem:$0x3FB9];
	_ =	sdelay $0x3  }
0x33: {  	p0 =	seq.s32 s10, $0x1;
	s10 =	sld [smem:$0x3FBB];
	_ =	sdelay $0x3  }
0x34: {  	[smem:$0x3FBB] =	sst s10  }
0x35: {  	s10 =	sld [smem:$0x3FBA];
	_ =	sdelay $0x3  }
0x36: {  	p1 =	seq.s32 s10, $0x1;
	s10 =	sld [smem:$0x3FBB];
	_ =	sdelay $0x3  }
0x37: {  	[smem:$0x3FBB] =	sst s10  }
0x38: {  	s10 =	sld [smem:$0x3FBC]  }
0x39: {  	_ = 	snop;
	(pc) =	sbr.ind lr, $3  }
0x3a: {  	_ = 	snop  }
0x3b: {  	_ = 	snop  }
0x3c: {  	p2 =	seq.s32 s10, $0x1;
	s10 =	sld [smem:$0x3FBB]  }
0x3d: {  	_ =	shalt  }
0x3e: {  	_ =	shalt  }
0x3f: {  	_ =	shalt  }
0x40: {  	_ =	shalt  }
0x41: {  	_ =	shalt  }
0x42: {  	_ =	shalt  }
0x43: {  	_ =	shalt  }
0x44: {  	_ =	shalt  }
0x45: {  	_ =	shalt  }
0x46: {  	_ =	shalt  }
0x47: {  	_ =	shalt  }
0x48: {  	_ =	shalt  }
0x49: {  	_ =	shalt  }
0x4a: {  	_ =	shalt  }
0x4b: {  	_ =	shalt  }
0x4c: {  	_ =	shalt  }
0x4d: {  	_ =	shalt  }
0x4e: {  	_ =	shalt  }
0x4f: {  	_ =	shalt  }
0x50: {  	_ =	shalt  }
0x51: {  	_ =	shalt  }
0x52: {  	_ =	shalt  }
0x53: {  	_ =	shalt  }
0x54: {  	_ =	shalt  }
0x55: {  	_ =	shalt  }
0x56: {  	_ =	shalt  }
0x57: {  	_ =	shalt  }
0x58: {  	_ =	shalt  }
0x59: {  	_ =	shalt  }
0x5a: {  	_ =	shalt  }
0x5b: {  	_ =	shalt  }
0x5c: {  	_ =	shalt  }
0x5d: {  	_ =	shalt  }
0x5e: {  	_ =	shalt  }
0x5f: {  	_ =	shalt  }
0x60: {  	_ =	shalt  }
0x61: {  	_ =	shalt  }
0x62: {  	_ =	shalt  }
0x63: {  	_ =	shalt  }
0x64: {  	_ =	shalt  }
0x65: {  	_ =	shalt  }
0x66: {  	_ =	shalt  }
0x67: {  	_ =	shalt  }
0x68: {  	_ =	shalt  }
0x69: {  	_ =	shalt  }
0x6a: {  	_ =	shalt  }
0x6b: {  	_ =	shalt  }
0x6c: {  	_ =	shalt  }
0x6d: {  	_ =	shalt  }
0x6e: {  	_ =	shalt  }
0x6f: {  	_ =	shalt  }
0x70: {  	_ =	shalt  }
0x71: {  	_ =	shalt  }
0x72: {  	_ =	shalt  }
0x73: {  	_ =	shalt  }
0x74: {  	_ =	shalt  }
0x75: {  	_ =	shalt  }
0x76: {  	_ =	shalt  }
0x77: {  	_ =	shalt  }
0x78: {  	_ =	shalt  }
0x79: {  	_ =	shalt  }
0x7a: {  	_ =	shalt  }
0x7b: {  	_ =	shalt  }
0x7c: {  	_ =	shalt  }
0x7d: {  	_ =	shalt  }
0x7e: {  	_ =	shalt  }
0x7f: {  	_ =	shalt  }
0x80: {  	_ =	shalt  }
0x81: {  	_ =	shalt  }
0x82: {  	_ =	shalt  }
0x83: {  	_ =	shalt  }
0x84: {  	_ =	shalt  }
0x85: {  	_ =	shalt  }
0x86: {  	_ =	shalt  }
0x87: {  	_ =	shalt  }
.Lfunc_end0:
.L_simem_size_0:
called_computation.1_lowered:
.L_overlay_start_0:
0x88: {  	s2 =	sld [smem:$0x3FD9]  }
0x89: {  	s3 =	sld [smem:$0x3FFE];
	_ =	sdelay $0x1  }
0x8a: {  	s1 =	srdreg.scid  }
0x8b: {  	s0 =	sand.u32 $0x1, s1  }
0x8c: {  	s17 =	sshll.u32 s0, $0xA;
	s2 =	sadd.s32 s3, s2  }
0x8d: {  	s2 =	sadd.s32 s2, s17  }
0x8e: {  	[smem:$0x3FC7] =	sst s2  }
0x8f: {  	_ = 	snop  }
0x90: {  	s2 =	sld [smem:$0x3FD0];
	(tm) =	ssettm $0x1  }
0x91: {  	s18 =	sld [smem:$0x3FFB];
	_ =	sdelay $0x3  }
0x92: {  	_ =	strace s18  }
0x93: {  	s3 =	sld [smem:$0x3FFC];
	_ =	sdelay $0x3  }
0x94: {  	_ =	strace s3  }
0x95: {  	s3 =	sld [smem:$0x3FFD];
	_ =	sdelay $0x3  }
0x96: {  	_ =	strace s3  }
0x97: {  	_ =	strace $0x8FFFFFFF  }
0x98: {  	s19 =	sld [smem:$0x3FDB];
	_ =	sdelay $0x1  }
0x99: {  	s4 =	simm.s32 $_scs_section_size  }
0x9a: {  	s5 =	simm.s32 $_size__tile_overlayer_lowered;
	s6 =	simm.s32 $_tile_overlayer_lowered  }
0x9b: {  	s22 =	simm.s32 $0x1BFF;
	s21 =	sshll.u32 s6, $0x1;
	s3 =	sadd.s32 s4, s19  }
0x9c: {  	s7 =	simm.s32 $0x0;
	s20 =	sshll.u32 s5, $0x1;
	s5 =	sadd.s32 s21, s3  }
0x9d: {  	[timem:s7], [sflag:s22] =	dma.local [hbm:s5], s20  }
0x9e: {  	_ =	swait.ge [sflag:s22], s20  }
0x9f: {  	s4 =	ssub.s32 $0x0, s20;
	[sflag:s22] =	ssyncset.done $0x0  }
0xa0: {  	[sflag:s22] =	ssyncadd.s32 s4;
	_ =	sdelay $0x1  }
0xa1: {  	s23 =	simm.s32 $0x1B8B  }
0xa2: {  	_ =	swait.ge [sflag:s23], $0x1  }
0xa3: {  	[sflag:s23] =	ssyncset.done $0x0  }
0xa4: {  	s25 =	simm.s32 $0x1B8E;
	s24 =	sld [smem:$0x3FFE];
	[sflag:s23] =	ssyncadd.s32 $0xFFFFFFFF  }
0xa5: {  	s26 =	simm.s32 $execute0_lowered;
	[smem:$0x3FD2] =	sst s25  }
0xa6: {  	s5 =	sshll.u32 s26, $0x1;
	_ =	strace $0x80000049;
	[dreg:$0x1] =	wrdreg $0xFFFFFFFF  }
0xa7: {  	s28 =	simm.s32 $_size_execute0_lowered;
	s3 =	sadd.s32 s3, s5;
	[dreg:$0x0] =	wrdreg $0x0  }
0xa8: {  	s5 =	sshll.u32 s28, $0x1;
	[dreg:$0x2] =	wrdreg s3  }
0xa9: {  	[dreg:$0x3] =	wrdreg s5  }
0xaa: {  	[dreg:$0x4] =	wrdreg $0xC0  }
0xab: {  	_ =	task [dreg:s7], $0x5FFFF  }
0xac: {  	[dreg:$0x1] =	wrdreg $0xFFFFFFFF  }
0xad: {  	[dreg:$0x0] =	wrdreg $0x60  }
0xae: {  	[dreg:$0x2] =	wrdreg s2  }
0xaf: {  	[dreg:$0x3] =	wrdreg s24  }
0xb0: {  	[dreg:$0x4] =	wrdreg $0x9  }
0xb1: {  	_ =	task.clear_ibuf [dreg:s7], $0x5FFFF;
	_ =	strace $0x90000049  }
0xb2: {  	s29 =	simm.s32 $0x9;
	_ =	strace $0x8000004B  }
0xb3: {  	_ =	swait.ge [sflag:s29], $0x1  }
0xb4: {  	[sflag:s29] =	ssyncadd.s32 $0xFFFFFFFF  }
0xb5: {  	_ =	strace $0x9000004B  }
0xb6: {  	_ =	sfence  }
0xb7: {  	s30 =	sld [smem:$0x0];
	_ =	sdelay $0x2  }
0xb8: {  	s31 =	sshll.u32 s1, $0xD;
	s1 =	sshrl.u32 s1, $0x2  }
0xb9: {  	s3 =	sand.u32 $0x4000, s31;
	s1 =	sadd.s32 s1, s30  }
0xba: {  	s0 =	sor.u32 s3, s0;
	s1 =	sshll.u32 s1, $0x11  }
0xbb: {  	s0 =	sor.u32 s1, s0  }
0xbc: {  	s0 =	sadd.s32 $0x8F2B, s0  }
0xbd: {  	[sflag:s0] =	ssyncadd.remote.s32 $0x1  }
0xbe: {  	_ =	sfence.sel $0xFFFF  }
0xbf: {  	[dreg:$0x0] =	wrdreg $0xFFFFFFFF;
	(pc) =	sbr.abs _section_cstart, $3  }
0xc0: {  	[dreg:$0x1] =	wrdreg $0xFFFFFFFF  }
0xc1: {  	_ =	task.clear_ibuf [dreg:s7], $0x2FFFF;
	_ =	strace $0x9FFFFFFF  }
0xc2: {  	(tm) =	ssettm $0x7FFFFFFF  }
0xc3: {  	_ =	shalt  }
tec
execute0_lowered:
.L_overlay_start_1:
0x0: {  	(tag) =	ssettag $0x1  }
0x1: {  	s3 =	rddreg [dreg:$0x0]  }
0x2: {  	s4 =	rddreg [dreg:$0x1]  }
0x3: {  	s0 =	rddreg [dreg:$0x2]  }
0x4: {  	s5 =	srdreg.scid;
	s2 =	simm.s32 $0x0;
	s1 =	stileid.u32  }
0x5: {  	s8 =	simm.s32 $0x1;
	s9 =	simm.s32 $0x8000;
	s10 =	simm.s32 $0x2  }
0x6: {  	s11 =	simm.s32 $0x4;
	s12 =	simm.s32 $0x10000;
	s13 =	simm.s32 $0x3  }
0x7: {  	s14 =	simm.s32 $0x0;
	s5 =	sand.u32 $0x1, s5;
	[smem:$0x7FF] =	sst s2  }
0x8: {  	v1 =	vlaneseq.u32;
	s6 =	sshll.u32 s1, $0xE;
	s7 =	sshll.u32 s5, $0xD;
	s5 =	ssub.s32 $0x2, s5  }
0x9: {  	v0 =	vmul.u32 $0x4, v1;
	v1 =	vmul.u32 $0x8, v1;
	_ =	strace $0x8000004A;
	s6 =	sor.u32 s7, s6;
	s30 =	sshrl.u32 s5, $0x1  }
0xa: {  	v2 =	vimm.f32 $0.0e+00;
	s7 =	sshll.u32 s6, $0x6;
	s6 =	sshll.u32 s6, $0x5;
	s31 =	ssub.s32 s5, s30  }
0xb: {  	v3 =	vor.u32 $0x40, v0;
	v4 =	vor.u32 $0x80, v1;
	v5 =	vor.u32 $0x80, v0;
	s4 =	sadd.s32 s7, s4;
	s3 =	sadd.s32 s3, s6;
	s6 =	smax.u32 s31, $0x1  }
0xc: {  	v6 =	vor.u32 $0x100, v1;
	v7 =	vor.u32 $0xC0, v0;
	v8 =	vor.u32 $0x180, v1;
	s7 =	simm.s32 $0x4000;
	s4 =	sadd.s32 $0x800, s4;
	s5 =	sadd.s32 $0x1000, s3  }
.LBB2_1:
0xd: {  	s15 =	simm.s32 $0x0;
	s16 =	simm.s32 $0x800  }
.LBB2_2:
0xe: {  	p0 =	sne.s32 s16, $0x1F800;
	[tilespmem:s15+$0x81F0] =	vst v2  }
0xf: {  	[tilespmem:s15+$0x8000] =	vst v2  }
0x10: {  	[tilespmem:s15+$0x8010] =	vst v2  }
0x11: {  	[tilespmem:s15+$0x8020] =	vst v2  }
0x12: {  	[tilespmem:s15+$0x8030] =	vst v2  }
0x13: {  	[tilespmem:s15+$0x8040] =	vst v2  }
0x14: {  	[tilespmem:s15+$0x8050] =	vst v2  }
0x15: {  	[tilespmem:s15+$0x8060] =	vst v2  }
0x16: {  	[tilespmem:s15+$0x8070] =	vst v2  }
0x17: {  	[tilespmem:s15+$0x8080] =	vst v2  }
0x18: {  	[tilespmem:s15+$0x8090] =	vst v2  }
0x19: {  	[tilespmem:s15+$0x80A0] =	vst v2  }
0x1a: {  	[tilespmem:s15+$0x80B0] =	vst v2  }
0x1b: {  	[tilespmem:s15+$0x80C0] =	vst v2  }
0x1c: {  	[tilespmem:s15+$0x80D0] =	vst v2  }
0x1d: {  	[tilespmem:s15+$0x80E0] =	vst v2  }
0x1e: {  	[tilespmem:s15+$0x80F0] =	vst v2  }
0x1f: {  	[tilespmem:s15+$0x8100] =	vst v2  }
0x20: {  	[tilespmem:s15+$0x8110] =	vst v2  }
0x21: {  	[tilespmem:s15+$0x8120] =	vst v2  }
0x22: {  	[tilespmem:s15+$0x8130] =	vst v2  }
0x23: {  	[tilespmem:s15+$0x8140] =	vst v2  }
0x24: {  	[tilespmem:s15+$0x8150] =	vst v2  }
0x25: {  	[tilespmem:s15+$0x8160] =	vst v2  }
0x26: {  	[tilespmem:s15+$0x8170] =	vst v2  }
0x27: {  	[tilespmem:s15+$0x8180] =	vst v2  }
0x28: {  	[tilespmem:s15+$0x8190] =	vst v2  }
.Ltmp0:
0x29: {  	[tilespmem:s15+$0x81A0] =	vst v2;
	(pc) =	sbr.rel @p0 .LBB2_2-.Ltmp0, $4  }
0x2a: {  	[tilespmem:s15+$0x81B0] =	vst v2  }
0x2b: {  	[tilespmem:s15+$0x81C0] =	vst v2  }
0x2c: {  	[tilespmem:s15+$0x81D0] =	vst v2  }
0x2d: {  	[tilespmem:s15+$0x81E0] =	vst v2;
	s15 =	sshra.s32 s16, $0x2;
	s16 =	sadd.s32 $0x800, s16  }
0x2e: {  	[tilespmem:s15+$0x81F0] =	vst v2  }
0x2f: {  	[tilespmem:s15+$0x8000] =	vst v2  }
0x30: {  	[tilespmem:s15+$0x8010] =	vst v2  }
0x31: {  	[tilespmem:s15+$0x8020] =	vst v2  }
0x32: {  	[tilespmem:s15+$0x8030] =	vst v2  }
0x33: {  	[tilespmem:s15+$0x8040] =	vst v2  }
0x34: {  	[tilespmem:s15+$0x8050] =	vst v2  }
0x35: {  	[tilespmem:s15+$0x8060] =	vst v2  }
0x36: {  	[tilespmem:s15+$0x8070] =	vst v2  }
0x37: {  	[tilespmem:s15+$0x8080] =	vst v2  }
0x38: {  	[tilespmem:s15+$0x8090] =	vst v2  }
0x39: {  	[tilespmem:s15+$0x80A0] =	vst v2  }
0x3a: {  	[tilespmem:s15+$0x80B0] =	vst v2  }
0x3b: {  	[tilespmem:s15+$0x80C0] =	vst v2  }
0x3c: {  	[tilespmem:s15+$0x80D0] =	vst v2  }
0x3d: {  	[tilespmem:s15+$0x80E0] =	vst v2  }
0x3e: {  	[tilespmem:s15+$0x80F0] =	vst v2  }
0x3f: {  	[tilespmem:s15+$0x8100] =	vst v2  }
0x40: {  	[tilespmem:s15+$0x8110] =	vst v2  }
0x41: {  	[tilespmem:s15+$0x8120] =	vst v2  }
0x42: {  	[tilespmem:s15+$0x8130] =	vst v2  }
0x43: {  	[tilespmem:s15+$0x8140] =	vst v2  }
0x44: {  	[tilespmem:s15+$0x8150] =	vst v2  }
0x45: {  	[tilespmem:s15+$0x8160] =	vst v2  }
0x46: {  	[tilespmem:s15+$0x8170] =	vst v2  }
0x47: {  	[tilespmem:s15+$0x8180] =	vst v2  }
0x48: {  	[tilespmem:s15+$0x8190] =	vst v2  }
0x49: {  	[tilespmem:s15+$0x81A0] =	vst v2  }
0x4a: {  	[tilespmem:s15+$0x81B0] =	vst v2  }
0x4b: {  	[tilespmem:s15+$0x81C0] =	vst v2  }
0x4c: {  	[tilespmem:s15+$0x81D0] =	vst v2  }
0x4d: {  	[tilespmem:s15+$0x81E0] =	vst v2;
	s15 =	simm.s32 $0x0;
	s16 =	simm.s32 $0x800  }
.LBB2_4:
0x4e: {  	p0 =	sne.s32 s16, $0x1F800;
	[tilespmem:s15+$0x101F0] =	vst v2  }
0x4f: {  	[tilespmem:s15+$0x10000] =	vst v2  }
0x50: {  	[tilespmem:s15+$0x10010] =	vst v2  }
0x51: {  	[tilespmem:s15+$0x10020] =	vst v2  }
0x52: {  	[tilespmem:s15+$0x10030] =	vst v2  }
0x53: {  	[tilespmem:s15+$0x10040] =	vst v2  }
0x54: {  	[tilespmem:s15+$0x10050] =	vst v2  }
0x55: {  	[tilespmem:s15+$0x10060] =	vst v2  }
0x56: {  	[tilespmem:s15+$0x10070] =	vst v2  }
0x57: {  	[tilespmem:s15+$0x10080] =	vst v2  }
0x58: {  	[tilespmem:s15+$0x10090] =	vst v2  }
0x59: {  	[tilespmem:s15+$0x100A0] =	vst v2  }
0x5a: {  	[tilespmem:s15+$0x100B0] =	vst v2  }
0x5b: {  	[tilespmem:s15+$0x100C0] =	vst v2  }
0x5c: {  	[tilespmem:s15+$0x100D0] =	vst v2  }
0x5d: {  	[tilespmem:s15+$0x100E0] =	vst v2  }
0x5e: {  	[tilespmem:s15+$0x100F0] =	vst v2  }
0x5f: {  	[tilespmem:s15+$0x10100] =	vst v2  }
0x60: {  	[tilespmem:s15+$0x10110] =	vst v2  }
0x61: {  	[tilespmem:s15+$0x10120] =	vst v2  }
0x62: {  	[tilespmem:s15+$0x10130] =	vst v2  }
0x63: {  	[tilespmem:s15+$0x10140] =	vst v2  }
0x64: {  	[tilespmem:s15+$0x10150] =	vst v2  }
0x65: {  	[tilespmem:s15+$0x10160] =	vst v2  }
0x66: {  	[tilespmem:s15+$0x10170] =	vst v2  }
0x67: {  	[tilespmem:s15+$0x10180] =	vst v2  }
0x68: {  	[tilespmem:s15+$0x10190] =	vst v2  }
.Ltmp1:
0x69: {  	[tilespmem:s15+$0x101A0] =	vst v2;
	(pc) =	sbr.rel @p0 .LBB2_4-.Ltmp1, $4  }
0x6a: {  	[tilespmem:s15+$0x101B0] =	vst v2  }
0x6b: {  	[tilespmem:s15+$0x101C0] =	vst v2  }
0x6c: {  	[tilespmem:s15+$0x101D0] =	vst v2  }
0x6d: {  	[tilespmem:s15+$0x101E0] =	vst v2;
	s15 =	sshra.s32 s16, $0x2;
	s16 =	sadd.s32 $0x800, s16  }
0x6e: {  	[tilespmem:s15+$0x101F0] =	vst v2  }
0x6f: {  	[tilespmem:s15+$0x10000] =	vst v2  }
0x70: {  	[tilespmem:s15+$0x10010] =	vst v2  }
0x71: {  	[tilespmem:s15+$0x10020] =	vst v2  }
0x72: {  	[tilespmem:s15+$0x10030] =	vst v2  }
0x73: {  	[tilespmem:s15+$0x10040] =	vst v2  }
0x74: {  	[tilespmem:s15+$0x10050] =	vst v2  }
0x75: {  	[tilespmem:s15+$0x10060] =	vst v2  }
0x76: {  	[tilespmem:s15+$0x10070] =	vst v2  }
0x77: {  	[tilespmem:s15+$0x10080] =	vst v2  }
0x78: {  	[tilespmem:s15+$0x10090] =	vst v2  }
0x79: {  	[tilespmem:s15+$0x100A0] =	vst v2  }
0x7a: {  	[tilespmem:s15+$0x100B0] =	vst v2  }
0x7b: {  	[tilespmem:s15+$0x100C0] =	vst v2  }
0x7c: {  	[tilespmem:s15+$0x100D0] =	vst v2  }
0x7d: {  	[tilespmem:s15+$0x100E0] =	vst v2  }
0x7e: {  	[tilespmem:s15+$0x100F0] =	vst v2  }
0x7f: {  	[tilespmem:s15+$0x10100] =	vst v2  }
0x80: {  	[tilespmem:s15+$0x10110] =	vst v2  }
0x81: {  	[tilespmem:s15+$0x10120] =	vst v2  }
0x82: {  	[tilespmem:s15+$0x10130] =	vst v2  }
0x83: {  	[tilespmem:s15+$0x10140] =	vst v2  }
0x84: {  	[tilespmem:s15+$0x10150] =	vst v2  }
0x85: {  	[tilespmem:s15+$0x10160] =	vst v2  }
0x86: {  	[tilespmem:s15+$0x10170] =	vst v2  }
0x87: {  	[tilespmem:s15+$0x10180] =	vst v2  }
0x88: {  	[tilespmem:s15+$0x10190] =	vst v2  }
0x89: {  	[tilespmem:s15+$0x101A0] =	vst v2  }
0x8a: {  	[tilespmem:s15+$0x101B0] =	vst v2  }
0x8b: {  	[tilespmem:s15+$0x101C0] =	vst v2  }
0x8c: {  	[tilespmem:s15+$0x101D0] =	vst v2  }
0x8d: {  	[tilespmem:s15+$0x101E0] =	vst v2;
	s15 =	simm.s32 $0x0;
	s16 =	simm.s32 $0x0  }
0x8e: {  	[tilespmem:s15], [sflag:$0x1] =	stream.linear.gather [hbm4b:s3+s15], $0x4000, $0x38;
	[tilespmem:$0x18000] =	vst v63  }
.LBB2_6:
0x8f: {  	s17 =	sshllo.u32 s16, $0x1  }
0x90: {  	s18 =	sshll.u32 s17, $0xB  }
0x91: {  	s18 =	sadd.s32 s18, s3  }
0x92: {  	v9 =	vmov s15;
	[tilespmem:s7], [sflag:$0x2] =	stream.linear.gather [hbm4b:s18+s2], $0x4000, $0x38;
	[tilespmem:$0x18000] =	vst v63  }
0x93: {  	v10 =	vshll.u32 v9, $0x8;
	_ =	swait.ge [sflag:s8], $0x4000  }
0x94: {  	p0 =	seq.s32 s16, $0x0;
	v11 =	vor.u32 v0, v10;
	[sflag:s8] =	ssyncset.done $0x0  }
0x95: {  	s18 =	simm.s32 @!p0 $0x3;
	[sflag:s8] =	ssyncadd.s32 $0xFFFFC000  }
0x96: {  	_ =	swait.ge @!p0 [sflag:s18], $0x8000  }
0x97: {  	[sflag:s18] =	ssyncset.done @!p0 $0x0  }
0x98: {  	v9 =	vshll.u32 v9, $0x9;
	[sflag:s18] =	ssyncadd.s32 @!p0 $0xFFFF8000  }
0x99: {  	v12 =	vor.u32 v1, v9;
	v11 =	vld.idx.msk [tilespmem:v11+s2+$0x0], $0xffff  }
0x9a: {  	v13 =	vor.u32 v3, v10;
	_ =	sdelay $0x3  }
0x9b: {  	[tilespmem:v12+s9+$0x0] =	vst.idx.msk $0xffff, v11  }
0x9c: {  	v60 =	vor.u32 v4, v9;
	v11 =	vld.idx.msk [tilespmem:v13+s2+$0x0], $0xffff  }
0x9d: {  	v61 =	vor.u32 v5, v10;
	_ =	sdelay $0x3  }
0x9e: {  	[tilespmem:v60+s9+$0x0] =	vst.idx.msk $0xffff, v11  }
0x9f: {  	v62 =	vor.u32 v6, v9;
	v11 =	vld.idx.msk [tilespmem:v61+s2+$0x0], $0xffff  }
0xa0: {  	v63 =	vor.u32 v7, v10;
	_ =	sdelay $0x3  }
0xa1: {  	s31 =	simm.s32 $0x1;
	[tilespmem:v62+s9+$0x0] =	vst.idx.msk $0xffff, v11  }
0xa2: {  	v10 =	vmov s31;
	s18 =	simm.s32 $0x2;
	v11 =	vld.idx.msk [tilespmem:v63+s2+$0x0], $0xffff  }
.LBB2_7:
0xa3: {  	p1 =	sne.s32 s18, $0x3F;
	v12 =	vshll.u32 v10, $0x8;
	v9 =	vor.u32 v8, v9  }
0xa4: {  	v13 =	vor.u32 v0, v12;
	_ =	sdelay $0x3  }
0xa5: {  	[tilespmem:v9+s9+$0x0] =	vst.idx.msk $0xffff, v11  }
0xa6: {  	v9 =	vshll.u32 v10, $0x9;
	v11 =	vld.idx.msk [tilespmem:v13+s2+$0x0], $0xffff  }
0xa7: {  	v10 =	vor.u32 v1, v9  }
0xa8: {  	v13 =	vor.u32 v3, v12;
	_ =	sdelay $0x3  }
0xa9: {  	[tilespmem:v10+s9+$0x0] =	vst.idx.msk $0xffff, v11  }
0xaa: {  	v10 =	vld.idx.msk [tilespmem:v13+s2+$0x0], $0xffff  }
0xab: {  	v11 =	vor.u32 v4, v9  }
0xac: {  	v13 =	vor.u32 v5, v12;
	_ =	sdelay $0x3  }
0xad: {  	[tilespmem:v11+s9+$0x0] =	vst.idx.msk $0xffff, v10  }
0xae: {  	v10 =	vld.idx.msk [tilespmem:v13+s2+$0x0], $0xffff  }
0xaf: {  	v11 =	vor.u32 v6, v9  }
0xb0: {  	v12 =	vor.u32 v7, v12  }
.Ltmp2:
0xb1: {  	(pc) =	sbr.rel @p1 .LBB2_7-.Ltmp2, $3  }
0xb2: {  	_ =	sdelay $0x1  }
0xb3: {  	[tilespmem:v11+s9+$0x0] =	vst.idx.msk $0xffff, v10  }
0xb4: {  	v10 =	vmov s18;
	s18 =	sadd.s32 $0x1, s18;
	v11 =	vld.idx.msk [tilespmem:v12+s2+$0x0], $0xffff  }
0xb5: {  	v12 =	vshll.u32 v10, $0x8;
	v9 =	vor.u32 v8, v9  }
0xb6: {  	v13 =	vor.u32 v0, v12;
	_ =	sdelay $0x3  }
0xb7: {  	[tilespmem:v9+s9+$0x0] =	vst.idx.msk $0xffff, v11;
	v9 =	vshll.u32 v10, $0x9  }
0xb8: {  	v10 =	vld.idx.msk [tilespmem:v13+s2+$0x0], $0xffff;
	v11 =	vor.u32 v1, v9  }
0xb9: {  	v62 =	vor.u32 v3, v12;
	_ =	sdelay $0x3  }
0xba: {  	[tilespmem:v11+s9+$0x0] =	vst.idx.msk $0xffff, v10  }
0xbb: {  	v11 =	vor.u32 v4, v9;
	v10 =	vld.idx.msk [tilespmem:v62+s2+$0x0], $0xffff  }
0xbc: {  	v63 =	vor.u32 v5, v12;
	_ =	sdelay $0x3  }
0xbd: {  	[tilespmem:v11+s9+$0x0] =	vst.idx.msk $0xffff, v10  }
0xbe: {  	v11 =	vor.u32 v6, v9;
	v10 =	vld.idx.msk [tilespmem:v63+s2+$0x0], $0xffff  }
0xbf: {  	v12 =	vor.u32 v7, v12;
	_ =	sdelay $0x3  }
0xc0: {  	[tilespmem:v11+s9+$0x0] =	vst.idx.msk $0xffff, v10  }
0xc1: {  	v9 =	vor.u32 v8, v9;
	v10 =	vld.idx.msk [tilespmem:v12+s2+$0x0], $0xffff  }
0xc2: {  	p1 =	sne.s32 s16, $0x3F  }
.Ltmp3:
0xc3: {  	_ = 	snop;
	(pc) =	sbr.rel @p1 .LBB2_10-.Ltmp3, $4  }
0xc4: {  	_ = 	snop  }
0xc5: {  	s18 =	sshll.u32 s16, $0xD  }
0xc6: {  	s18 =	sadd.s32 s18, s4;
	[tilespmem:v9+s9+$0x0] =	vst.idx.msk $0xffff, v10  }
0xc7: {  	[hbm4b:s18+s2] =	stream.linear.scatter [tilespmem:s9], [sflag:$0x3], $0x8000, $0x38;
	[tilespmem:$0x18000] =	vst v63  }
.Ltmp4:
0xc8: {  	(pc) =	sbr.rel .LBB2_11-.Ltmp4, $4  }
0xc9: {  	_ = 	snop  }
0xca: {  	_ =	swait.ge [sflag:s10], $0x4000  }
0xcb: {  	[sflag:s10] =	ssyncset.done $0x0  }
0xcc: {  	[sflag:s10] =	ssyncadd.s32 $0xFFFFC000  }
.LBB2_10:
0xcd: {  	s18 =	sshll.u32 s16, $0xC  }
.Ltmp5:
0xce: {  	s18 =	sadd.s32 s18, s5;
	(pc) =	sbr.rel @p0 .LBB2_12-.Ltmp5, $4  }
0xcf: {  	[tilespmem:s2], [sflag:$0x1] =	stream.linear.gather [hbm4b:s18+s2], $0x4000, $0x38;
	[tilespmem:$0x18000] =	vst v63  }
0xd0: {  	_ =	swait.ge [sflag:s10], $0x4000  }
0xd1: {  	[sflag:s10] =	ssyncset.done $0x0  }
0xd2: {  	[sflag:s10] =	ssyncadd.s32 $0xFFFFC000  }
.LBB2_11:
0xd3: {  	_ =	swait.ge [sflag:s11], $0x8000  }
0xd4: {  	[sflag:s11] =	ssyncset.done $0x0  }
0xd5: {  	[sflag:s11] =	ssyncadd.s32 $0xFFFF8000  }
.LBB2_12:
0xd6: {  	s18 =	simm.s32 $0x0  }
0xd7: {  	v9 =	vmov s18  }
0xd8: {  	v10 =	vshll.u32 v9, $0x8  }
0xd9: {  	v11 =	vor.u32 v0, v10;
	_ =	sdelay $0x3  }
0xda: {  	v9 =	vshll.u32 v9, $0x9  }
0xdb: {  	v12 =	vor.u32 v1, v9;
	v11 =	vld.idx.msk [tilespmem:v11+s7+$0x0], $0xffff  }
0xdc: {  	v13 =	vor.u32 v3, v10;
	_ =	sdelay $0x3  }
0xdd: {  	[tilespmem:v12+s12+$0x0] =	vst.idx.msk $0xffff, v11  }
0xde: {  	v60 =	vor.u32 v4, v9;
	v11 =	vld.idx.msk [tilespmem:v13+s7+$0x0], $0xffff  }
0xdf: {  	v61 =	vor.u32 v5, v10;
	_ =	sdelay $0x3  }
0xe0: {  	[tilespmem:v60+s12+$0x0] =	vst.idx.msk $0xffff, v11  }
0xe1: {  	v62 =	vor.u32 v6, v9;
	v11 =	vld.idx.msk [tilespmem:v61+s7+$0x0], $0xffff  }
0xe2: {  	v63 =	vor.u32 v7, v10;
	_ =	sdelay $0x3  }
0xe3: {  	s31 =	simm.s32 $0x1;
	[tilespmem:v62+s12+$0x0] =	vst.idx.msk $0xffff, v11  }
0xe4: {  	s18 =	simm.s32 $0x2;
	v10 =	vmov s31;
	v11 =	vld.idx.msk [tilespmem:v63+s7+$0x0], $0xffff  }
.LBB2_13:
0xe5: {  	p0 =	sne.s32 s18, $0x3F;
	v12 =	vshll.u32 v10, $0x8;
	v9 =	vor.u32 v8, v9  }
0xe6: {  	v13 =	vor.u32 v0, v12;
	_ =	sdelay $0x3  }
0xe7: {  	[tilespmem:v9+s12+$0x0] =	vst.idx.msk $0xffff, v11  }
0xe8: {  	v9 =	vshll.u32 v10, $0x9;
	v11 =	vld.idx.msk [tilespmem:v13+s7+$0x0], $0xffff  }
0xe9: {  	v10 =	vor.u32 v1, v9  }
0xea: {  	v13 =	vor.u32 v3, v12;
	_ =	sdelay $0x3  }
0xeb: {  	[tilespmem:v10+s12+$0x0] =	vst.idx.msk $0xffff, v11  }
0xec: {  	v10 =	vld.idx.msk [tilespmem:v13+s7+$0x0], $0xffff  }
0xed: {  	v11 =	vor.u32 v4, v9  }
0xee: {  	v13 =	vor.u32 v5, v12;
	_ =	sdelay $0x3  }
0xef: {  	[tilespmem:v11+s12+$0x0] =	vst.idx.msk $0xffff, v10  }
0xf0: {  	v10 =	vld.idx.msk [tilespmem:v13+s7+$0x0], $0xffff  }
0xf1: {  	v11 =	vor.u32 v6, v9  }
0xf2: {  	v12 =	vor.u32 v7, v12  }
.Ltmp6:
0xf3: {  	(pc) =	sbr.rel @p0 .LBB2_13-.Ltmp6, $3  }
0xf4: {  	_ =	sdelay $0x1  }
0xf5: {  	[tilespmem:v11+s12+$0x0] =	vst.idx.msk $0xffff, v10  }
0xf6: {  	v10 =	vmov s18;
	s18 =	sadd.s32 $0x1, s18;
	v11 =	vld.idx.msk [tilespmem:v12+s7+$0x0], $0xffff  }
0xf7: {  	v12 =	vshll.u32 v10, $0x8;
	v9 =	vor.u32 v8, v9  }
0xf8: {  	v13 =	vor.u32 v0, v12;
	_ =	sdelay $0x3  }
0xf9: {  	[tilespmem:v9+s12+$0x0] =	vst.idx.msk $0xffff, v11;
	v9 =	vshll.u32 v10, $0x9  }
0xfa: {  	v10 =	vld.idx.msk [tilespmem:v13+s7+$0x0], $0xffff;
	v11 =	vor.u32 v1, v9  }
0xfb: {  	v62 =	vor.u32 v3, v12;
	_ =	sdelay $0x3  }
0xfc: {  	[tilespmem:v11+s12+$0x0] =	vst.idx.msk $0xffff, v10  }
0xfd: {  	v11 =	vor.u32 v4, v9;
	v10 =	vld.idx.msk [tilespmem:v62+s7+$0x0], $0xffff  }
0xfe: {  	v63 =	vor.u32 v5, v12;
	_ =	sdelay $0x3  }
0xff: {  	[tilespmem:v11+s12+$0x0] =	vst.idx.msk $0xffff, v10  }
0x100: {  	v11 =	vor.u32 v6, v9;
	v10 =	vld.idx.msk [tilespmem:v63+s7+$0x0], $0xffff  }
0x101: {  	v12 =	vor.u32 v7, v12;
	_ =	sdelay $0x3  }
0x102: {  	[tilespmem:v11+s12+$0x0] =	vst.idx.msk $0xffff, v10  }
0x103: {  	s16 =	sadd.s32 $0x1, s16;
	v9 =	vor.u32 v8, v9;
	v10 =	vld.idx.msk [tilespmem:v12+s7+$0x0], $0xffff  }
0x104: {  	p0 =	sne.s32 s16, $0x40  }
.Ltmp7:
0x105: {  	_ = 	snop;
	(pc) =	sbr.rel @p0 .LBB2_6-.Ltmp7, $4  }
0x106: {  	_ = 	snop  }
0x107: {  	s17 =	sshll.u32 s17, $0xC  }
0x108: {  	s17 =	sadd.s32 s17, s4;
	[tilespmem:v9+s12+$0x0] =	vst.idx.msk $0xffff, v10  }
0x109: {  	[hbm4b:s17+s2] =	stream.linear.scatter [tilespmem:s12], [sflag:$0x4], $0x8000, $0x38;
	[tilespmem:$0x18000] =	vst v63  }
0x10a: {  	s14 =	sadd.s32 $0x1, s14  }
0x10b: {  	_ =	swait.ge [sflag:s13], $0x8000;
	p0 =	sne.s32 s14, s6  }
.Ltmp8:
0x10c: {  	[sflag:s13] =	ssyncset.done $0x0;
	(pc) =	sbr.rel @p0 .LBB2_1-.Ltmp8, $4  }
0x10d: {  	[sflag:s13] =	ssyncadd.s32 $0xFFFF8000  }
0x10e: {  	_ =	swait.ge [sflag:s11], $0x8000  }
0x10f: {  	[sflag:s11] =	ssyncset.done $0x0  }
0x110: {  	[sflag:s11] =	ssyncadd.s32 $0xFFFF8000  }
0x111: {  	_ =	sfence.sel $0x180000  }
0x112: {  	[bflag:$0x0] =	sbarrier.arrive $0xFFFF  }
0x113: {  	p0 =	sne.s32 s1, $0x0;
	_ =	strace $0x9000004A  }
0x114: {  	s0 =	sadd.s32 @!p0 $0x100000, s0;
	[bflag:$0x2] =	sbarrier.arrive $0xFFFF  }
0x115: {  	[sflag:s0] =	ssyncadd.tile.s32 @!p0 $0x1;
	_ =	shalt  }
.Lfunc_end2:
_tile_overlayer_lowered:
.L_overlay_start_2:
0x116: {  	(tag) =	ssettag $0x2  }
0x117: {  	s0 =	rddreg [dreg:$0x0];
	s2 =	stileid.u32  }
0x118: {  	s1 =	rddreg [dreg:$0x1];
	p0 =	sne.s32 s2, $0x0  }
0x119: {  	s3 =	rddreg [dreg:$0x2];
	[bflag:$0x3] =	sbarrier.arrive $0xFFFF;
	s2 =	simm.s32 @!p0 $0x1C05  }
0x11a: {  	[timem:s3], [sflag:s2] =	dma.local @!p0 [hbm:s0], s1  }
0x11b: {  	s0 =	simm.s32 @!p0 $0x5  }
0x11c: {  	_ =	swait.ge @!p0 [sflag:s0], s1  }
0x11d: {  	s1 =	ssub.s32 @!p0 $0x0, s1;
	[sflag:s0] =	ssyncset.done @!p0 $0x0  }
0x11e: {  	[sflag:s0] =	ssyncadd.s32 @!p0 s1  }
0x11f: {  	[bflag:$0x3] =	sbarrier.arrive $0xFFFF  }
0x120: {  	_ =	shalt  }

// kernel: sparse-core-data-format-call.cloned.1.call-start
scs
called_computation_lowered:
.L_overlay_start_0:
0x0: {  	s2 =	sld [smem:$0x3FD9]  }
0x1: {  	s3 =	sld [smem:$0x3FFE];
	_ =	sdelay $0x1  }
0x2: {  	s1 =	srdreg.scid  }
0x3: {  	s0 =	sand.u32 $0x1, s1  }
0x4: {  	s19 =	sshll.u32 s0, $0xA;
	s2 =	sadd.s32 s3, s2  }
0x5: {  	s2 =	sadd.s32 s2, s19  }
0x6: {  	[smem:$0x3FC7] =	sst s2  }
0x7: {  	_ = 	snop  }
0x8: {  	s2 =	sld [smem:$0x3FC9]  }
0x9: {  	s20 =	sld [smem:$0x3FD0];
	(tm) =	ssettm $0x1  }
0xa: {  	s4 =	sld [smem:$0x3FFB];
	_ =	sdelay $0x3  }
0xb: {  	_ =	strace s4  }
0xc: {  	s4 =	sld [smem:$0x3FFC];
	_ =	sdelay $0x3  }
0xd: {  	_ =	strace s4  }
0xe: {  	s4 =	sld [smem:$0x3FFD];
	_ =	sdelay $0x3  }
0xf: {  	_ =	strace s4  }
0x10: {  	_ =	strace $0x8FFFFFFF  }
0x11: {  	s21 =	sld [smem:$0x3FDB];
	_ =	sdelay $0x1  }
0x12: {  	s5 =	simm.s32 $_scs_section_size  }
0x13: {  	s6 =	simm.s32 $_size__tile_overlayer_lowered;
	s7 =	simm.s32 $_tile_overlayer_lowered  }
0x14: {  	s24 =	simm.s32 $0x1BFF;
	s23 =	sshll.u32 s7, $0x1;
	s4 =	sadd.s32 s5, s21  }
0x15: {  	s8 =	simm.s32 $0x0;
	s22 =	sshll.u32 s6, $0x1;
	s6 =	sadd.s32 s23, s4  }
0x16: {  	[timem:s8], [sflag:s24] =	dma.local [hbm:s6], s22  }
0x17: {  	_ =	swait.ge [sflag:s24], s22  }
0x18: {  	s5 =	ssub.s32 $0x0, s22;
	[sflag:s24] =	ssyncset.done $0x0  }
0x19: {  	[sflag:s24] =	ssyncadd.s32 s5;
	_ =	sdelay $0x1  }
0x1a: {  	s25 =	simm.s32 $0x1B8B  }
0x1b: {  	_ =	swait.ge [sflag:s25], $0x1  }
0x1c: {  	[sflag:s25] =	ssyncset.done $0x0  }
0x1d: {  	s26 =	simm.s32 $0x1B8E;
	[sflag:s25] =	ssyncadd.s32 $0xFFFFFFFF  }
0x1e: {  	s27 =	simm.s32 $execute0_lowered;
	[smem:$0x3FD2] =	sst s26  }
0x1f: {  	s5 =	sshll.u32 s27, $0x1;
	_ =	strace $0x80000046;
	[dreg:$0x1] =	wrdreg $0xFFFFFFFF  }
0x20: {  	s28 =	simm.s32 $_size_execute0_lowered;
	s4 =	sadd.s32 s4, s5;
	[dreg:$0x0] =	wrdreg $0x0  }
0x21: {  	s5 =	sshll.u32 s28, $0x1;
	[dreg:$0x2] =	wrdreg s4  }
0x22: {  	[dreg:$0x3] =	wrdreg s5  }
0x23: {  	[dreg:$0x4] =	wrdreg $0xC0  }
0x24: {  	_ =	task [dreg:s8], $0x5FFFF  }
0x25: {  	[dreg:$0x1] =	wrdreg $0xFFFFFFFF  }
0x26: {  	[dreg:$0x0] =	wrdreg $0x60  }
0x27: {  	[dreg:$0x2] =	wrdreg s2  }
0x28: {  	[dreg:$0x3] =	wrdreg s20  }
0x29: {  	[dreg:$0x4] =	wrdreg $0x9  }
0x2a: {  	_ =	task.clear_ibuf [dreg:s8], $0x5FFFF;
	_ =	strace $0x90000046  }
0x2b: {  	s29 =	simm.s32 $0x9;
	_ =	strace $0x80000048  }
0x2c: {  	_ =	swait.ge [sflag:s29], $0x1  }
0x2d: {  	[sflag:s29] =	ssyncadd.s32 $0xFFFFFFFF  }
0x2e: {  	_ =	strace $0x90000048  }
0x2f: {  	_ =	sfence  }
0x30: {  	s30 =	sld [smem:$0x0];
	_ =	sdelay $0x2  }
0x31: {  	s31 =	sshll.u32 s1, $0xD;
	s1 =	sshrl.u32 s1, $0x2  }
0x32: {  	s3 =	sand.u32 $0x4000, s31;
	s1 =	sadd.s32 s1, s30  }
0x33: {  	s0 =	sor.u32 s3, s0;
	s1 =	sshll.u32 s1, $0x11  }
0x34: {  	s0 =	sor.u32 s1, s0  }
0x35: {  	s0 =	sadd.s32 $0x8F2B, s0  }
0x36: {  	[sflag:s0] =	ssyncadd.remote.s32 $0x1  }
0x37: {  	_ =	sfence.sel $0xFFFF  }
0x38: {  	[dreg:$0x0] =	wrdreg $0xFFFFFFFF;
	(pc) =	sbr.abs _section_cstart, $3  }
0x39: {  	[dreg:$0x1] =	wrdreg $0xFFFFFFFF  }
0x3a: {  	_ =	task.clear_ibuf [dreg:s8], $0x2FFFF;
	_ =	strace $0x9FFFFFFF  }
0x3b: {  	(tm) =	ssettm $0x7FFFFFFF  }
tec
execute0_lowered:
.L_overlay_start_1:
0x0: {  	(tag) =	ssettag $0x1  }
0x1: {  	s0 =	srdreg.scid  }
0x2: {  	s1 =	sshll.u32 s0, $0x4  }
0x3: {  	s2 =	rddreg [dreg:$0x0];
	s0 =	stileid.u32;
	s1 =	sand.u32 $0x10, s1  }
0x4: {  	s4 =	rddreg [dreg:$0x1];
	s1 =	sor.u32 s0, s1  }
0x5: {  	s7 =	simm.s32 $0x1;
	s8 =	simm.s32 $0x2;
	s3 =	sshll.u32 s1, $0x3  }
0x6: {  	s9 =	simm.s32 $0x0;
	s12 =	simm.s32 $0x0;
	s6 =	ssub.s32 $0x8000, s3  }
.Ltmp0:
0x7: {  	s11 =	simm.s32 $0x0;
	s5 =	sand.u32 $0xF8, s6;
	(pc) =	sbr.rel .LBB1_1-.Ltmp0, $4  }
0x8: {  	s1 =	rddreg [dreg:$0x2];
	_ =	strace $0x80000047;
	p0 =	sne.s32 s5, $0x0  }
0x9: {  	s6 =	sshrl.u32 s6, $0x8;
	s5 =	simm.s32 $0x1;
	s7 =	simm.s32 @!p0 $0x0  }
0xa: {  	s10 =	smov.u32 s3;
	[sflag:s5] =	ssyncpa.u1 $0x0;
	s6 =	sadd.s32 s7, s6  }
0xb: {  	[sflag:s8] =	ssyncpa.u1 $0x0;
	s8 =	simm.s32 $0x0;
	s7 =	sadd.s32 $0x1, s6  }
.LBB1_9:
0xc: {  	s14 =	sadd.s32 $0x100, s10  }
0xd: {  	p1 =	sgt.s32 s14, $0x7FFF  }
0xe: {  	s14 =	smov.u32 @p1 s3;
	p1 =	sne.s32 s11, s7  }
.Ltmp1:
0xf: {  	p0 =	slt.u32 s11, $0x2;
	(pc) =	sbr.rel @!p1 .LBB1_10-.Ltmp1, $4  }
0x10: {  	s13 =	simm.s32 @!p0 $0x2  }
0x11: {  	s15 =	sadd.s32 $0x1, s11;
	_ =	swait.ge @!p0 [sflag:s13], $0x4000  }
0x12: {  	s12 =	smov.u32 s10;
	s9 =	sadd.s32 $0x4000, s9;
	[sflag:s13] =	ssyncset.done @!p0 $0x0  }
0x13: {  	s11 =	smov.u32 s15;
	s10 =	smov.u32 s14;
	[sflag:s13] =	ssyncadd.s32 @!p0 $0xFFFFC000  }
.LBB1_1:
0x14: {  	p0 =	sge.u32 s11, s6  }
0x15: {  	s13 =	sxor.u32 @!p0 $0xFFFFFFFF, s11  }
0x16: {  	s31 =	sadd.s32 $0xFFFFFFFF, s11;
	s14 =	sshll.u32 @!p0 s10, $0x8;
	s13 =	sshll.u32 @!p0 s13, $0xE  }
0x17: {  	s15 =	simm.s32 @!p0 $0x0;
	s14 =	sadd.s32 @!p0 s2, s14;
	s13 =	sand.u32 @!p0 $0x4000, s13  }
0x18: {  	[tilespmem:s13], [sflag:$0x1] =	stream.linear.gather @!p0 [hbm4b:s14+s15], $0x4000, $0x38;
	[tilespmem:$0x10000] =	vst v63  }
0x19: {  	p0 =	sge.u32 s31, s6  }
.Ltmp2:
0x1a: {  	_ = 	snop;
	(pc) =	sbr.rel @p0 .LBB1_9-.Ltmp2, $1  }
0x1b: {  	_ =	sdelay $0x3  }
0x1c: {  	s13 =	sshll.u32 s9, $0x2;
	_ =	swait.ge [sflag:s5], $0x4000;
	s14 =	sshll.u32 s11, $0xE  }
0x1d: {  	s16 =	simm.s32 $0x0;
	s17 =	simm.s32 $0x0;
	s15 =	sand.u32 $0x10000, s13  }
0x1e: {  	[sflag:s5] =	ssyncset.done $0x0;
	s31 =	sand.u32 $0x4000, s14;
	s14 =	sshrl.u32 s15, $0x2  }
0x1f: {  	[sflag:s5] =	ssyncadd.s32 $0xFFFFC000;
	s13 =	sor.u32 $0x8000, s31;
	s15 =	sor.u32 $0x8000, s14  }
.LBB1_3:
0x20: {  	s18 =	sshra.s32 s16, $0x2  }
0x21: {  	v0 =	vmov s18;
	_ =	sdelay $0x3  }
0x22: {  	p1 =	por $0x1, $0x1;
	s18 =	simm.s32 $0x0  }
.LBB1_4:
0x23: {  	_ = 	snop  }
0x24: {  	s19 =	sshll.u32 s18, $0xA  }
0x25: {  	s19 =	sand.u32 $0x3FFFFC00, s19  }
0x26: {  	s19 =	sadd.s32 s19, s14  }
0x27: {  	v5 =	vld.idx.msk [tilespmem:v0+s19+$0x70 ss:$0x1], $0xffff  }
0x28: {  	v6 =	vld.idx.msk [tilespmem:v0+s19+$0x10 ss:$0x1], $0xffff  }
0x29: {  	v7 =	vld.idx.msk [tilespmem:v0+s19+$0x20 ss:$0x1], $0xffff  }
0x2a: {  	s31 =	sshll.u32 s18, $0x7;
	v1 =	vld.idx.msk [tilespmem:v0+s19+$0x30 ss:$0x1], $0xffff  }
0x2b: {  	s18 =	sand.u32 $0x3FFFFF80, s31;
	v2 =	vld.idx.msk [tilespmem:v0+s19+$0x40 ss:$0x1], $0xffff  }
0x2c: {  	s18 =	sadd.s32 s18, s15;
	v3 =	vld.idx.msk [tilespmem:v0+s19+$0x50 ss:$0x1], $0xffff  }
0x2d: {  	v4 =	vld.idx.msk [tilespmem:v0+s19+$0x60 ss:$0x1], $0xffff;
	[tilespmem:v0+s18+$0x70 ss:$0x1] =	vst.idx.msk $0xffff, v5  }
0x2e: {  	v5 =	vld.idx.msk [tilespmem:v0+s19+$0x0 ss:$0x1], $0xffff;
	[tilespmem:v0+s18+$0x10 ss:$0x1] =	vst.idx.msk $0xffff, v6;
	s19 =	sadd.s32 $0x80, s19  }
0x2f: {  	p0 =	por p1, p1;
	s20 =	simm.s32 $0x6;
	[tilespmem:v0+s18+$0x20 ss:$0x1] =	vst.idx.msk $0xffff, v7;
	v6 =	vld.idx.msk [tilespmem:v0+s19+$0x70 ss:$0x1], $0xffff  }
.LBB1_5:
0x30: {  	p1 =	sne.s32 s20, $0x1;
	v7 =	vld.idx.msk [tilespmem:v0+s19+$0x10 ss:$0x1], $0xffff;
	[tilespmem:v0+s18+$0x30 ss:$0x1] =	vst.idx.msk $0xffff, v1  }
0x31: {  	v8 =	vld.idx.msk [tilespmem:v0+s19+$0x20 ss:$0x1], $0xffff;
	[tilespmem:v0+s18+$0x40 ss:$0x1] =	vst.idx.msk $0xffff, v2  }
0x32: {  	v1 =	vld.idx.msk [tilespmem:v0+s19+$0x30 ss:$0x1], $0xffff;
	[tilespmem:v0+s18+$0x50 ss:$0x1] =	vst.idx.msk $0xffff, v3  }
.Ltmp3:
0x33: {  	v2 =	vld.idx.msk [tilespmem:v0+s19+$0x40 ss:$0x1], $0xffff;
	[tilespmem:v0+s18+$0x60 ss:$0x1] =	vst.idx.msk $0xffff, v4;
	(pc) =	sbr.rel @p1 .LBB1_5-.Ltmp3, $4  }
0x34: {  	v3 =	vld.idx.msk [tilespmem:v0+s19+$0x50 ss:$0x1], $0xffff;
	[tilespmem:v0+s18+$0x0 ss:$0x1] =	vst.idx.msk $0xffff, v5;
	s18 =	sadd.s32 $0x100, s18  }
0x35: {  	v4 =	vld.idx.msk [tilespmem:v0+s19+$0x60 ss:$0x1], $0xffff;
	[tilespmem:v0+s18+$0x70 ss:$0x1] =	vst.idx.msk $0xffff, v6  }
0x36: {  	v5 =	vld.idx.msk [tilespmem:v0+s19+$0x0 ss:$0x1], $0xffff;
	[tilespmem:v0+s18+$0x10 ss:$0x1] =	vst.idx.msk $0xffff, v7;
	s19 =	sadd.s32 $0x80, s19  }
0x37: {  	s20 =	sadd.s32 $0xFFFFFFFF, s20;
	v6 =	vld.idx.msk [tilespmem:v0+s19+$0x70 ss:$0x1], $0xffff;
	[tilespmem:v0+s18+$0x20 ss:$0x1] =	vst.idx.msk $0xffff, v8  }
0x38: {  	_ =	sdelay $0x3  }
0x39: {  	[tilespmem:v0+s18+$0x30 ss:$0x1] =	vst.idx.msk $0xffff, v1  }
0x3a: {  	v1 =	vld.idx.msk [tilespmem:v0+s19+$0x10 ss:$0x1], $0xffff;
	[tilespmem:v0+s18+$0x40 ss:$0x1] =	vst.idx.msk $0xffff, v2  }
0x3b: {  	v2 =	vld.idx.msk [tilespmem:v0+s19+$0x20 ss:$0x1], $0xffff;
	[tilespmem:v0+s18+$0x50 ss:$0x1] =	vst.idx.msk $0xffff, v3  }
0x3c: {  	v61 =	vld.idx.msk [tilespmem:v0+s19+$0x40 ss:$0x1], $0xffff;
	[tilespmem:v0+s18+$0x60 ss:$0x1] =	vst.idx.msk $0xffff, v4  }
0x3d: {  	s31 =	sadd.s32 $0x100, s18;
	v62 =	vld.idx.msk [tilespmem:v0+s19+$0x50 ss:$0x1], $0xffff;
	[tilespmem:v0+s18+$0x0 ss:$0x1] =	vst.idx.msk $0xffff, v5  }
0x3e: {  	v63 =	vld.idx.msk [tilespmem:v0+s19+$0x60 ss:$0x1], $0xffff;
	[tilespmem:v0+s31+$0x70 ss:$0x1] =	vst.idx.msk $0xffff, v6  }
0x3f: {  	v3 =	vld.idx.msk [tilespmem:v0+s19+$0x30 ss:$0x1], $0xffff;
	[tilespmem:v0+s31+$0x10 ss:$0x1] =	vst.idx.msk $0xffff, v1  }
0x40: {  	v1 =	vld.idx.msk [tilespmem:v0+s19+$0x0 ss:$0x1], $0xffff;
	[tilespmem:v0+s31+$0x20 ss:$0x1] =	vst.idx.msk $0xffff, v2  }
.Ltmp4:
0x41: {  	[tilespmem:v0+s31+$0x40 ss:$0x1] =	vst.idx.msk $0xffff, v61;
	(pc) =	sbr.rel @p0 .LBB1_4-.Ltmp4, $4  }
0x42: {  	[tilespmem:v0+s31+$0x50 ss:$0x1] =	vst.idx.msk $0xffff, v62  }
0x43: {  	[tilespmem:v0+s31+$0x60 ss:$0x1] =	vst.idx.msk $0xffff, v63  }
0x44: {  	[tilespmem:v0+s31+$0x30 ss:$0x1] =	vst.idx.msk $0xffff, v3  }
0x45: {  	p1 =	por $0x0, $0x0;
	s18 =	simm.s32 $0x1;
	[tilespmem:v0+s31+$0x0 ss:$0x1] =	vst.idx.msk $0xffff, v1  }
0x46: {  	s17 =	sadd.s32 $0x1, s17  }
0x47: {  	p0 =	sne.s32 s17, $0x8  }
.Ltmp5:
0x48: {  	_ = 	snop;
	(pc) =	sbr.rel @p0 .LBB1_3-.Ltmp5, $2  }
0x49: {  	_ =	sdelay $0x2  }
0x4a: {  	s16 =	sadd.s32 $0x2000, s16  }
.Ltmp6:
0x4b: {  	(pc) =	sbr.rel .LBB1_9-.Ltmp6, $4  }
0x4c: {  	_ = 	snop  }
0x4d: {  	s12 =	sshll.u32 s12, $0x8  }
0x4e: {  	s12 =	sadd.s32 s4, s12  }
0x4f: {  	[hbm4b:s12+s8] =	stream.linear.scatter [tilespmem:s13], [sflag:$0x2], $0x4000, $0x38;
	[tilespmem:$0x10000] =	vst v63  }
.LBB1_10:
0x50: {  	_ =	sfence.sel $0x180000  }
0x51: {  	s2 =	simm.s32 $0x1;
	[bflag:$0x0] =	sbarrier.arrive $0xFFFF  }
0x52: {  	s31 =	simm.s32 $0x2;
	[sflag:s2] =	ssyncpa.u1 $0x1  }
0x53: {  	[sflag:s31] =	ssyncpa.u1 $0x1  }
0x54: {  	p0 =	sne.s32 s0, $0x0;
	_ =	strace $0x90000047  }
0x55: {  	s0 =	sadd.s32 @!p0 $0x100000, s1;
	[bflag:$0x2] =	sbarrier.arrive $0xFFFF  }
0x56: {  	[sflag:s0] =	ssyncadd.tile.s32 @!p0 $0x1;
	_ =	shalt  }
.Lfunc_end1:
_tile_overlayer_lowered:
.L_overlay_start_2:
0x57: {  	(tag) =	ssettag $0x2  }
0x58: {  	s0 =	rddreg [dreg:$0x0];
	s2 =	stileid.u32  }
0x59: {  	s1 =	rddreg [dreg:$0x1];
	p0 =	sne.s32 s2, $0x0  }
0x5a: {  	s3 =	rddreg [dreg:$0x2];
	[bflag:$0x3] =	sbarrier.arrive $0xFFFF;
	s2 =	simm.s32 @!p0 $0x1C01  }
0x5b: {  	[timem:s3], [sflag:s2] =	dma.local @!p0 [hbm:s0], s1  }
0x5c: {  	s0 =	simm.s32 @!p0 $0x1  }
0x5d: {  	_ =	swait.ge @!p0 [sflag:s0], s1  }
0x5e: {  	s1 =	ssub.s32 @!p0 $0x0, s1;
	[sflag:s0] =	ssyncset.done @!p0 $0x0  }
0x5f: {  	[sflag:s0] =	ssyncadd.s32 @!p0 s1  }
0x60: {  	[bflag:$0x3] =	sbarrier.arrive $0xFFFF  }
0x61: {  	_ =	shalt  }

</sc_bundles>
